<compile_context>
chip_gen: v7x
topology: tpu7x:2x2x1
jax: 0.10.2.dev20260603
libtpu: 0.0.44.dev20260713+nightly
codegen_flags: <defaults>
</compile_context>

<pallas_src>
import functools

import jax
import jax.numpy as jnp
from jax import lax
from jax.experimental import pallas as pl
from jax.experimental.pallas import tpu as pltpu
from jax.experimental.pallas import tpu_sc as plsc

_NC = 2
_NS = 16
_NW = _NC * _NS
_LANES = 16


def _rne_bf16_bits(x):
    u = lax.bitcast_convert_type(x, jnp.uint32)
    return u + jnp.uint32(0x7FFF) + ((u >> jnp.uint32(16)) & jnp.uint32(1))


def _proj_pack_body(w_ref, ht_ref, o_ref):
    ps = w_ref[10] * jnp.ones_like(ht_ref[0:1, :])
    pd = jnp.zeros_like(ps)
    for d in range(5):
        row = ht_ref[d : d + 1, :]
        ps = ps + w_ref[d] * row
        pd = pd + w_ref[5 + d] * row
    lo = _rne_bf16_bits(ps) >> jnp.uint32(16)
    hi = _rne_bf16_bits(pd) & jnp.uint32(0xFFFF0000)
    o_ref[...] = lax.bitcast_convert_type(hi | lo, jnp.int32).reshape(-1)


def _build_table(h, W, b, npad):
    n = h.shape[0]
    ht = jnp.zeros((8, npad), jnp.float32).at[:5, :n].set(h.T)
    wsm = jnp.concatenate(
        [W.reshape(-1), b.reshape(-1), jnp.zeros((5,), jnp.float32)]
    )
    return pl.pallas_call(
        _proj_pack_body,
        out_shape=jax.ShapeDtypeStruct((npad,), jnp.int32),
        in_specs=[
            pl.BlockSpec(memory_space=pltpu.SMEM),
            pl.BlockSpec(memory_space=pltpu.VMEM),
        ],
        out_specs=pl.BlockSpec(memory_space=pltpu.VMEM),
    )(wsm, ht)


def _make_sc_gather(e_total, npad, chunk):
    tot_chunks = e_total // chunk
    depth = 4
    n_t = -(-tot_chunks // _NW)
    n_t = -(-n_t // depth) * depth
    n_rounds = n_t // depth
    n_vec = chunk // _LANES
    mesh = plsc.VectorSubcoreMesh(core_axis_name="c", subcore_axis_name="s")

    @functools.partial(
        pl.kernel,
        mesh=mesh,
        compiler_params=pltpu.CompilerParams(needs_layout_passes=False),
        out_type=jax.ShapeDtypeStruct((e_total,), jnp.float32),
        scratch_types=(
            [pltpu.VMEM((npad,), jnp.int32)]
            + [pltpu.VMEM((2, chunk), jnp.int32) for _ in range(depth)]
            + [pltpu.VMEM((chunk,), jnp.float32) for _ in range(depth)]
            + [pltpu.SemaphoreType.DMA for _ in range(2 * depth + 1)]
        ),
    )
    def sc_kernel(ei_hbm, tbl_hbm, out_hbm, tbl_v, *bufs_flat):
        idx_bufs = bufs_flat[:depth]
        out_bufs = bufs_flat[depth:2 * depth]
        in_sems = bufs_flat[2 * depth:3 * depth]
        out_sems = bufs_flat[3 * depth:4 * depth]
        tbl_sem = bufs_flat[4 * depth]
        wid = lax.axis_index("s") * _NC + lax.axis_index("c")

        def chunk_off(j):
            return lax.rem(wid + _NW * j, tot_chunks) * chunk

        def start_in(j, b):
            pltpu.async_copy(ei_hbm.at[:, pl.ds(chunk_off(j), chunk)],
                             idx_bufs[b], in_sems[b])

        def wait_in(b):
            pltpu.make_async_copy(ei_hbm.at[:, pl.ds(0, chunk)],
                                  idx_bufs[b], in_sems[b]).wait()

        def wait_out(b):
            pltpu.make_async_copy(out_bufs[b], out_hbm.at[pl.ds(0, chunk)],
                                  out_sems[b]).wait()

        def compute(j, b):
            idx_v, out_v = idx_bufs[b], out_bufs[b]

            def vec_body(i):
                s = idx_v[0, pl.ds(i * _LANES, _LANES)]
                d = idx_v[1, pl.ds(i * _LANES, _LANES)]
                g_s = plsc.load_gather(tbl_v, [s])
                g_d = plsc.load_gather(tbl_v, [d])
                ps = plsc.bitcast(g_s << jnp.int32(16), jnp.float32)
                pd = plsc.bitcast(g_d & jnp.int32(-65536), jnp.float32)
                out_v[pl.ds(i * _LANES, _LANES)] = ps + pd

            plsc.parallel_loop(0, n_vec, 1, unroll=16)(vec_body)
            pltpu.async_copy(out_v, out_hbm.at[pl.ds(chunk_off(j), chunk)],
                             out_sems[b])

        pltpu.async_copy(tbl_hbm, tbl_v, tbl_sem)
        for b in range(depth - 1):
            start_in(b, b)
        pltpu.make_async_copy(tbl_hbm, tbl_v, tbl_sem).wait()

        def round_body(t, carry):
            for b in range(depth):
                j = depth * t + b
                jn = j + depth - 1
                pl.when(jn < n_t)(
                    functools.partial(start_in, jn, (b - 1) % depth))
                wait_in(b)
                pl.when(t > 0)(functools.partial(wait_out, b))
                compute(j, b)
            return carry

        lax.fori_loop(0, n_rounds, round_body, 0)
        for b in range(depth):
            wait_out(b)

    return sc_kernel


def kernel(h, edge_index, W, b):
    n = h.shape[0]
    e_total = edge_index.shape[1]
    npad = ((n + 127) // 128) * 128
    tbl = _build_table(h, W, b, npad)
    ei = edge_index.astype(jnp.int32)
    chunk = 2560
    score = _make_sc_gather(e_total, npad, chunk)(ei, tbl)
    return score.reshape(e_total, 1)

# --- scband reference (transcript-rebuilt; emitter-appended) ---
"""Pipeline reference for scband-mlppredictor-89043261980805 (READ-ONLY COPY).

The authoritative reference and input builder live on the scoring server;
editing this copy changes nothing except your own understanding.
"""

import jax, jax.numpy as jnp
import numpy as np

N = 100000
E = 3200000
D = 5
OUT = 1

def setup_inputs(seed: int = 0) -> dict:
    key = jax.random.key(seed)
    k1, k2, k3, k4 = jax.random.split(key, 4)
    h = jax.random.normal(k1, (N, D), dtype=jnp.float32)
    edge_index = jax.random.randint(k2, (2, E), 0, N, dtype=jnp.int64)
    # nn.Linear(10, out_classes): weight [out, 10], bias [out]
    W = jax.random.normal(k3, (OUT, 2 * D), dtype=jnp.float32) * (1.0 / np.sqrt(2 * D))
    b = jnp.zeros((OUT,), dtype=jnp.float32)
    return {"h": h, "edge_index": edge_index, "W": W, "b": b}

def reference(h, edge_index, W, b):
    # DGL apply_edges: gather src/dst node features per edge (SparseCore gather)
    src = edge_index[0]
    dst = edge_index[1]
    h_u = jnp.take(h, src, axis=0)   # [E, D]
    h_v = jnp.take(h, dst, axis=0)   # [E, D]
    node_feature = jnp.concatenate([h_u, h_v], axis=1)  # [E, 2D]
    score = node_feature @ W.T + b   # [E, OUT]
    return score

if __name__ == "__main__":
    import jax
    _d = setup_inputs()
    print(jax.jit(kernel)(*tuple(_d.values())))

</pallas_src>

<mosaic_0001>
#map = affine_map<(d0, d1) -> (0, 0)>
#map1 = affine_map<(d0, d1) -> (0)>
module attributes {stable_mosaic.version = 14 : i64} {
  func.func @sc_kernel(%arg0: i32, %arg1: i32, %arg2: memref<2x3200000xi32, #tpu.memory_space<hbm>>, %arg3: memref<100096xi32, #tpu.memory_space<hbm>>, %arg4: memref<3200000xf32, #tpu.memory_space<hbm>>, %arg5: memref<100096xi32, #tpu.memory_space<vmem>>, %arg6: memref<2x2560xi32, #tpu.memory_space<vmem>>, %arg7: memref<2x2560xi32, #tpu.memory_space<vmem>>, %arg8: memref<2x2560xi32, #tpu.memory_space<vmem>>, %arg9: memref<2x2560xi32, #tpu.memory_space<vmem>>, %arg10: memref<2560xf32, #tpu.memory_space<vmem>>, %arg11: memref<2560xf32, #tpu.memory_space<vmem>>, %arg12: memref<2560xf32, #tpu.memory_space<vmem>>, %arg13: memref<2560xf32, #tpu.memory_space<vmem>>, %arg14: memref<!tpu.dma_semaphore, #tpu.memory_space<semaphore_mem>>, %arg15: memref<!tpu.dma_semaphore, #tpu.memory_space<semaphore_mem>>, %arg16: memref<!tpu.dma_semaphore, #tpu.memory_space<semaphore_mem>>, %arg17: memref<!tpu.dma_semaphore, #tpu.memory_space<semaphore_mem>>, %arg18: memref<!tpu.dma_semaphore, #tpu.memory_space<semaphore_mem>>, %arg19: memref<!tpu.dma_semaphore, #tpu.memory_space<semaphore_mem>>, %arg20: memref<!tpu.dma_semaphore, #tpu.memory_space<semaphore_mem>>, %arg21: memref<!tpu.dma_semaphore, #tpu.memory_space<semaphore_mem>>, %arg22: memref<!tpu.dma_semaphore, #tpu.memory_space<semaphore_mem>>) attributes {dimension_semantics = [#tpu.dimension_semantics<core_parallel>, #tpu.dimension_semantics<subcore_parallel>], iteration_bounds = array<i64: 2, 16>, scalar_prefetch = 0 : i64, scratch_operands = 18 : i64, tpu.core_type = #tpu.core_type<sc_vector_subcore>, window_params = [{transform_indices = #map}, {transform_indices = #map1}, {transform_indices = #map1}]} {
    %mul3A = arith.constant 2 : i32
    %mul3A_0 = arith.muli %arg1, %mul3A : i32
    %add3A = arith.addi %mul3A_0, %arg0 : i32
    tpu.enqueue_dma source(%arg3 : memref<100096xi32, #tpu.memory_space<hbm>>) target(%arg5 : memref<100096xi32, #tpu.memory_space<vmem>>) target_semaphore(%arg22 : memref<!tpu.dma_semaphore, #tpu.memory_space<semaphore_mem>>)
    %add3A_1 = arith.constant 0 : i32
    %add3A_2 = arith.addi %add3A, %add3A_1 : i32
    %rem3A = arith.constant 1250 : i32
    %rem3A_3 = arith.remsi %add3A_2, %rem3A : i32
    %mul3A_4 = arith.constant 2560 : i32
    %mul3A_5 = arith.muli %rem3A_3, %mul3A_4 : i32
    %dma_start3A = arith.constant 0 : i32
    %dma_start3A_6 = tpu.memref_slice %arg2[%dma_start3A, %mul3A_5] : memref<2x3200000xi32, #tpu.memory_space<hbm>> -> memref<2x2560xi32, #tpu.memory_space<hbm>>
    %dma_start3A_7 = arith.constant 0 : i32
    %dma_start3A_8 = tpu.memref_slice %arg2[%dma_start3A_7, %mul3A_5] : memref<2x3200000xi32, #tpu.memory_space<hbm>> -> memref<2x2560xi32, #tpu.memory_space<hbm>>
    tpu.enqueue_dma source(%dma_start3A_8 : memref<2x2560xi32, #tpu.memory_space<hbm>>) target(%arg6 : memref<2x2560xi32, #tpu.memory_space<vmem>>) target_semaphore(%arg14 : memref<!tpu.dma_semaphore, #tpu.memory_space<semaphore_mem>>)
    %add3A_9 = arith.constant 32 : i32
    %add3A_10 = arith.addi %add3A, %add3A_9 : i32
    %rem3A_11 = arith.constant 1250 : i32
    %rem3A_12 = arith.remsi %add3A_10, %rem3A_11 : i32
    %mul3A_13 = arith.constant 2560 : i32
    %mul3A_14 = arith.muli %rem3A_12, %mul3A_13 : i32
    %dma_start3A_15 = arith.constant 0 : i32
    %dma_start3A_16 = tpu.memref_slice %arg2[%dma_start3A_15, %mul3A_14] : memref<2x3200000xi32, #tpu.memory_space<hbm>> -> memref<2x2560xi32, #tpu.memory_space<hbm>>
    %dma_start3A_17 = arith.constant 0 : i32
    %dma_start3A_18 = tpu.memref_slice %arg2[%dma_start3A_17, %mul3A_14] : memref<2x3200000xi32, #tpu.memory_space<hbm>> -> memref<2x2560xi32, #tpu.memory_space<hbm>>
    tpu.enqueue_dma source(%dma_start3A_18 : memref<2x2560xi32, #tpu.memory_space<hbm>>) target(%arg7 : memref<2x2560xi32, #tpu.memory_space<vmem>>) target_semaphore(%arg15 : memref<!tpu.dma_semaphore, #tpu.memory_space<semaphore_mem>>)
    %add3A_19 = arith.constant 64 : i32
    %add3A_20 = arith.addi %add3A, %add3A_19 : i32
    %rem3A_21 = arith.constant 1250 : i32
    %rem3A_22 = arith.remsi %add3A_20, %rem3A_21 : i32
    %mul3A_23 = arith.constant 2560 : i32
    %mul3A_24 = arith.muli %rem3A_22, %mul3A_23 : i32
    %dma_start3A_25 = arith.constant 0 : i32
    %dma_start3A_26 = tpu.memref_slice %arg2[%dma_start3A_25, %mul3A_24] : memref<2x3200000xi32, #tpu.memory_space<hbm>> -> memref<2x2560xi32, #tpu.memory_space<hbm>>
    %dma_start3A_27 = arith.constant 0 : i32
    %dma_start3A_28 = tpu.memref_slice %arg2[%dma_start3A_27, %mul3A_24] : memref<2x3200000xi32, #tpu.memory_space<hbm>> -> memref<2x2560xi32, #tpu.memory_space<hbm>>
    tpu.enqueue_dma source(%dma_start3A_28 : memref<2x2560xi32, #tpu.memory_space<hbm>>) target(%arg8 : memref<2x2560xi32, #tpu.memory_space<vmem>>) target_semaphore(%arg16 : memref<!tpu.dma_semaphore, #tpu.memory_space<semaphore_mem>>)
    tpu.wait_dma2 semaphore(%arg22 : memref<!tpu.dma_semaphore, #tpu.memory_space<semaphore_mem>>) src(%arg3 : memref<100096xi32, #tpu.memory_space<hbm>>) dst(%arg5 : memref<100096xi32, #tpu.memory_space<vmem>>)
    %scan3A = arith.constant 0 : i32
    %scan3A_29 = arith.constant 0 : i32
    %scan3A_30 = arith.constant 10 : i32
    %scan3A_31 = arith.addi %scan3A_29, %scan3A_30 : i32
    %scan3A_32 = arith.constant 1 : i32
    scf.for %scan3A_49 = %scan3A_29 to %scan3A_31 step %scan3A_32  : i32 {
      %mul3A_50 = arith.constant 4 : i32
      %mul3A_51 = arith.muli %mul3A_50, %scan3A_49 : i32
      %add3A_52 = arith.constant 0 : i32
      %add3A_53 = arith.addi %mul3A_51, %add3A_52 : i32
      %add3A_54 = arith.constant 4 : i32
      %add3A_55 = arith.addi %add3A_53, %add3A_54 : i32
      %sub3A = arith.constant 1 : i32
      %sub3A_56 = arith.subi %add3A_55, %sub3A : i32
      %lt3A = arith.constant 40 : i32
      %lt3A_57 = arith.cmpi slt, %sub3A_56, %lt3A : i32
      %convert_element_type3A = arith.extui %lt3A_57 : i1 to i32
      %cond3A = arith.constant 0 : i32
      %cond3A_58 = arith.cmpi ne, %convert_element_type3A, %cond3A : i32
      scf.if %cond3A_58 {
        %mul3A_188 = arith.constant 32 : i32
        %mul3A_189 = arith.muli %mul3A_188, %sub3A_56 : i32
        %add3A_190 = arith.addi %add3A, %mul3A_189 : i32
        %rem3A_191 = arith.constant 1250 : i32
        %rem3A_192 = arith.remsi %add3A_190, %rem3A_191 : i32
        %mul3A_193 = arith.constant 2560 : i32
        %mul3A_194 = arith.muli %rem3A_192, %mul3A_193 : i32
        %dma_start3A_195 = arith.constant 0 : i32
        %dma_start3A_196 = tpu.memref_slice %arg2[%dma_start3A_195, %mul3A_194] : memref<2x3200000xi32, #tpu.memory_space<hbm>> -> memref<2x2560xi32, #tpu.memory_space<hbm>>
        %dma_start3A_197 = arith.constant 0 : i32
        %dma_start3A_198 = tpu.memref_slice %arg2[%dma_start3A_197, %mul3A_194] : memref<2x3200000xi32, #tpu.memory_space<hbm>> -> memref<2x2560xi32, #tpu.memory_space<hbm>>
        tpu.enqueue_dma source(%dma_start3A_198 : memref<2x2560xi32, #tpu.memory_space<hbm>>) target(%arg9 : memref<2x2560xi32, #tpu.memory_space<vmem>>) target_semaphore(%arg17 : memref<!tpu.dma_semaphore, #tpu.memory_space<semaphore_mem>>)
      } else {
      }
      %dma_wait3A_59 = arith.constant 0 : i32
      %dma_wait3A_60 = arith.constant 0 : i32
      %dma_wait3A_61 = tpu.memref_slice %arg2[%dma_wait3A_59, %dma_wait3A_60] : memref<2x3200000xi32, #tpu.memory_space<hbm>> -> memref<2x2560xi32, #tpu.memory_space<hbm>>
      %dma_wait3A_62 = arith.constant 0 : i32
      %dma_wait3A_63 = arith.constant 0 : i32
      %dma_wait3A_64 = tpu.memref_slice %arg2[%dma_wait3A_62, %dma_wait3A_63] : memref<2x3200000xi32, #tpu.memory_space<hbm>> -> memref<2x2560xi32, #tpu.memory_space<hbm>>
      tpu.wait_dma2 semaphore(%arg14 : memref<!tpu.dma_semaphore, #tpu.memory_space<semaphore_mem>>) src(%dma_wait3A_64 : memref<2x2560xi32, #tpu.memory_space<hbm>>) dst(%arg6 : memref<2x2560xi32, #tpu.memory_space<vmem>>)
      %gt3A = arith.constant 0 : i32
      %gt3A_65 = arith.cmpi sgt, %scan3A_49, %gt3A : i32
      %convert_element_type3A_66 = arith.extui %gt3A_65 : i1 to i32
      %cond3A_67 = arith.constant 0 : i32
      %cond3A_68 = arith.cmpi ne, %convert_element_type3A_66, %cond3A_67 : i32
      scf.if %cond3A_68 {
        %dma_wait3A_188 = arith.constant 0 : i32
        %dma_wait3A_189 = tpu.memref_slice %arg4[%dma_wait3A_188] : memref<3200000xf32, #tpu.memory_space<hbm>> -> memref<2560xf32, #tpu.memory_space<hbm>>
        %dma_wait3A_190 = arith.constant 0 : i32
        %dma_wait3A_191 = tpu.memref_slice %arg4[%dma_wait3A_190] : memref<3200000xf32, #tpu.memory_space<hbm>> -> memref<2560xf32, #tpu.memory_space<hbm>>
        tpu.wait_dma2 semaphore(%arg18 : memref<!tpu.dma_semaphore, #tpu.memory_space<semaphore_mem>>) src(%arg10 : memref<2560xf32, #tpu.memory_space<vmem>>) dst(%dma_wait3A_191 : memref<2560xf32, #tpu.memory_space<hbm>>)
      } else {
      }
      %parallel_loop3A = arith.constant 0 : i32
      %parallel_loop3A_69 = arith.constant 160 : i32
      %parallel_loop3A_70 = arith.constant 1 : i32
      scf.for %parallel_loop3A_188 = %parallel_loop3A to %parallel_loop3A_69 step %parallel_loop3A_70  : i32 {
        %parallel_loop3A_189 = arith.constant 16 : i32
        %parallel_loop3A_190 = arith.muli %parallel_loop3A_188, %parallel_loop3A_189 : i32
        %parallel_loop3A_191 = arith.constant 0 : i32
        %parallel_loop3A_192 = arith.index_cast %parallel_loop3A_191 : i32 to index
        %parallel_loop3A_193 = arith.index_cast %parallel_loop3A_190 : i32 to index
        %parallel_loop3A_194 = tpu.vector_load %arg6[%parallel_loop3A_192, %parallel_loop3A_193] {strides = array<i32>} : memref<2x2560xi32, #tpu.memory_space<vmem>>, vector<16xi32>,
        %parallel_loop3A_195 = arith.constant 16 : i32
        %parallel_loop3A_196 = arith.muli %parallel_loop3A_188, %parallel_loop3A_195 : i32
        %parallel_loop3A_197 = arith.constant 1 : i32
        %parallel_loop3A_198 = arith.index_cast %parallel_loop3A_197 : i32 to index
        %parallel_loop3A_199 = arith.index_cast %parallel_loop3A_196 : i32 to index
        %parallel_loop3A_200 = tpu.vector_load %arg6[%parallel_loop3A_198, %parallel_loop3A_199] {strides = array<i32>} : memref<2x2560xi32, #tpu.memory_space<vmem>>, vector<16xi32>,
        %parallel_loop3A_201 = tpu.vector_load_idx %arg5[%parallel_loop3A_194] : memref<100096xi32, #tpu.memory_space<vmem>>[vector<16xi32>], vector<16xi32>,
        %parallel_loop3A_202 = tpu.vector_load_idx %arg5[%parallel_loop3A_200] : memref<100096xi32, #tpu.memory_space<vmem>>[vector<16xi32>], vector<16xi32>,
        %parallel_loop3A_203 = arith.constant 16 : i32
        %parallel_loop3A_204 = vector.broadcast %parallel_loop3A_203 : i32 to vector<16xi32>
        %parallel_loop3A_205 = arith.shli %parallel_loop3A_201, %parallel_loop3A_204 : vector<16xi32>
        %parallel_loop3A_206 = vector.bitcast %parallel_loop3A_205 : vector<16xi32> to vector<16xf32>
        %parallel_loop3A_207 = arith.constant -65536 : i32
        %parallel_loop3A_208 = vector.broadcast %parallel_loop3A_207 : i32 to vector<16xi32>
        %parallel_loop3A_209 = arith.andi %parallel_loop3A_202, %parallel_loop3A_208 : vector<16xi32>
        %parallel_loop3A_210 = vector.bitcast %parallel_loop3A_209 : vector<16xi32> to vector<16xf32>
        %parallel_loop3A_211 = arith.addf %parallel_loop3A_206, %parallel_loop3A_210 : vector<16xf32>
        %parallel_loop3A_212 = arith.constant 16 : i32
        %parallel_loop3A_213 = arith.muli %parallel_loop3A_188, %parallel_loop3A_212 : i32
        %parallel_loop3A_214 = arith.index_cast %parallel_loop3A_213 : i32 to index
        %parallel_loop3A_215 = tpu.vector_load %arg10[%parallel_loop3A_214] {strides = array<i32>} : memref<2560xf32, #tpu.memory_space<vmem>>, vector<16xf32>,
        tpu.vector_store %arg10[%parallel_loop3A_214], %parallel_loop3A_211 {strides = array<i32>} : memref<2560xf32, #tpu.memory_space<vmem>>, vector<16xf32>,
      } {sc.loop_unroll_factor = 16 : i64, sc.parallel_access}
      %mul3A_71 = arith.constant 32 : i32
      %mul3A_72 = arith.muli %mul3A_71, %add3A_53 : i32
      %add3A_73 = arith.addi %add3A, %mul3A_72 : i32
      %rem3A_74 = arith.constant 1250 : i32
      %rem3A_75 = arith.remsi %add3A_73, %rem3A_74 : i32
      %mul3A_76 = arith.constant 2560 : i32
      %mul3A_77 = arith.muli %rem3A_75, %mul3A_76 : i32
      %dma_start3A_78 = tpu.memref_slice %arg4[%mul3A_77] : memref<3200000xf32, #tpu.memory_space<hbm>> -> memref<2560xf32, #tpu.memory_space<hbm>>
      %dma_start3A_79 = tpu.memref_slice %arg4[%mul3A_77] : memref<3200000xf32, #tpu.memory_space<hbm>> -> memref<2560xf32, #tpu.memory_space<hbm>>
      tpu.enqueue_dma source(%arg10 : memref<2560xf32, #tpu.memory_space<vmem>>) target(%dma_start3A_79 : memref<2560xf32, #tpu.memory_space<hbm>>) target_semaphore(%arg18 : memref<!tpu.dma_semaphore, #tpu.memory_space<semaphore_mem>>)
      %mul3A_80 = arith.constant 4 : i32
      %mul3A_81 = arith.muli %mul3A_80, %scan3A_49 : i32
      %add3A_82 = arith.constant 1 : i32
      %add3A_83 = arith.addi %mul3A_81, %add3A_82 : i32
      %add3A_84 = arith.constant 4 : i32
      %add3A_85 = arith.addi %add3A_83, %add3A_84 : i32
      %sub3A_86 = arith.constant 1 : i32
      %sub3A_87 = arith.subi %add3A_85, %sub3A_86 : i32
      %lt3A_88 = arith.constant 40 : i32
      %lt3A_89 = arith.cmpi slt, %sub3A_87, %lt3A_88 : i32
      %convert_element_type3A_90 = arith.extui %lt3A_89 : i1 to i32
      %cond3A_91 = arith.constant 0 : i32
      %cond3A_92 = arith.cmpi ne, %convert_element_type3A_90, %cond3A_91 : i32
      scf.if %cond3A_92 {
        %mul3A_188 = arith.constant 32 : i32
        %mul3A_189 = arith.muli %mul3A_188, %sub3A_87 : i32
        %add3A_190 = arith.addi %add3A, %mul3A_189 : i32
        %rem3A_191 = arith.constant 1250 : i32
        %rem3A_192 = arith.remsi %add3A_190, %rem3A_191 : i32
        %mul3A_193 = arith.constant 2560 : i32
        %mul3A_194 = arith.muli %rem3A_192, %mul3A_193 : i32
        %dma_start3A_195 = arith.constant 0 : i32
        %dma_start3A_196 = tpu.memref_slice %arg2[%dma_start3A_195, %mul3A_194] : memref<2x3200000xi32, #tpu.memory_space<hbm>> -> memref<2x2560xi32, #tpu.memory_space<hbm>>
        %dma_start3A_197 = arith.constant 0 : i32
        %dma_start3A_198 = tpu.memref_slice %arg2[%dma_start3A_197, %mul3A_194] : memref<2x3200000xi32, #tpu.memory_space<hbm>> -> memref<2x2560xi32, #tpu.memory_space<hbm>>
        tpu.enqueue_dma source(%dma_start3A_198 : memref<2x2560xi32, #tpu.memory_space<hbm>>) target(%arg6 : memref<2x2560xi32, #tpu.memory_space<vmem>>) target_semaphore(%arg14 : memref<!tpu.dma_semaphore, #tpu.memory_space<semaphore_mem>>)
      } else {
      }
      %dma_wait3A_93 = arith.constant 0 : i32
      %dma_wait3A_94 = arith.constant 0 : i32
      %dma_wait3A_95 = tpu.memref_slice %arg2[%dma_wait3A_93, %dma_wait3A_94] : memref<2x3200000xi32, #tpu.memory_space<hbm>> -> memref<2x2560xi32, #tpu.memory_space<hbm>>
      %dma_wait3A_96 = arith.constant 0 : i32
      %dma_wait3A_97 = arith.constant 0 : i32
      %dma_wait3A_98 = tpu.memref_slice %arg2[%dma_wait3A_96, %dma_wait3A_97] : memref<2x3200000xi32, #tpu.memory_space<hbm>> -> memref<2x2560xi32, #tpu.memory_space<hbm>>
      tpu.wait_dma2 semaphore(%arg15 : memref<!tpu.dma_semaphore, #tpu.memory_space<semaphore_mem>>) src(%dma_wait3A_98 : memref<2x2560xi32, #tpu.memory_space<hbm>>) dst(%arg7 : memref<2x2560xi32, #tpu.memory_space<vmem>>)
      %gt3A_99 = arith.constant 0 : i32
      %gt3A_100 = arith.cmpi sgt, %scan3A_49, %gt3A_99 : i32
      %convert_element_type3A_101 = arith.extui %gt3A_100 : i1 to i32
      %cond3A_102 = arith.constant 0 : i32
      %cond3A_103 = arith.cmpi ne, %convert_element_type3A_101, %cond3A_102 : i32
      scf.if %cond3A_103 {
        %dma_wait3A_188 = arith.constant 0 : i32
        %dma_wait3A_189 = tpu.memref_slice %arg4[%dma_wait3A_188] : memref<3200000xf32, #tpu.memory_space<hbm>> -> memref<2560xf32, #tpu.memory_space<hbm>>
        %dma_wait3A_190 = arith.constant 0 : i32
        %dma_wait3A_191 = tpu.memref_slice %arg4[%dma_wait3A_190] : memref<3200000xf32, #tpu.memory_space<hbm>> -> memref<2560xf32, #tpu.memory_space<hbm>>
        tpu.wait_dma2 semaphore(%arg19 : memref<!tpu.dma_semaphore, #tpu.memory_space<semaphore_mem>>) src(%arg11 : memref<2560xf32, #tpu.memory_space<vmem>>) dst(%dma_wait3A_191 : memref<2560xf32, #tpu.memory_space<hbm>>)
      } else {
      }
      %parallel_loop3A_104 = arith.constant 0 : i32
      %parallel_loop3A_105 = arith.constant 160 : i32
      %parallel_loop3A_106 = arith.constant 1 : i32
      scf.for %parallel_loop3A_188 = %parallel_loop3A_104 to %parallel_loop3A_105 step %parallel_loop3A_106  : i32 {
        %parallel_loop3A_189 = arith.constant 16 : i32
        %parallel_loop3A_190 = arith.muli %parallel_loop3A_188, %parallel_loop3A_189 : i32
        %parallel_loop3A_191 = arith.constant 0 : i32
        %parallel_loop3A_192 = arith.index_cast %parallel_loop3A_191 : i32 to index
        %parallel_loop3A_193 = arith.index_cast %parallel_loop3A_190 : i32 to index
        %parallel_loop3A_194 = tpu.vector_load %arg7[%parallel_loop3A_192, %parallel_loop3A_193] {strides = array<i32>} : memref<2x2560xi32, #tpu.memory_space<vmem>>, vector<16xi32>,
        %parallel_loop3A_195 = arith.constant 16 : i32
        %parallel_loop3A_196 = arith.muli %parallel_loop3A_188, %parallel_loop3A_195 : i32
        %parallel_loop3A_197 = arith.constant 1 : i32
        %parallel_loop3A_198 = arith.index_cast %parallel_loop3A_197 : i32 to index
        %parallel_loop3A_199 = arith.index_cast %parallel_loop3A_196 : i32 to index
        %parallel_loop3A_200 = tpu.vector_load %arg7[%parallel_loop3A_198, %parallel_loop3A_199] {strides = array<i32>} : memref<2x2560xi32, #tpu.memory_space<vmem>>, vector<16xi32>,
        %parallel_loop3A_201 = tpu.vector_load_idx %arg5[%parallel_loop3A_194] : memref<100096xi32, #tpu.memory_space<vmem>>[vector<16xi32>], vector<16xi32>,
        %parallel_loop3A_202 = tpu.vector_load_idx %arg5[%parallel_loop3A_200] : memref<100096xi32, #tpu.memory_space<vmem>>[vector<16xi32>], vector<16xi32>,
        %parallel_loop3A_203 = arith.constant 16 : i32
        %parallel_loop3A_204 = vector.broadcast %parallel_loop3A_203 : i32 to vector<16xi32>
        %parallel_loop3A_205 = arith.shli %parallel_loop3A_201, %parallel_loop3A_204 : vector<16xi32>
        %parallel_loop3A_206 = vector.bitcast %parallel_loop3A_205 : vector<16xi32> to vector<16xf32>
        %parallel_loop3A_207 = arith.constant -65536 : i32
        %parallel_loop3A_208 = vector.broadcast %parallel_loop3A_207 : i32 to vector<16xi32>
        %parallel_loop3A_209 = arith.andi %parallel_loop3A_202, %parallel_loop3A_208 : vector<16xi32>
        %parallel_loop3A_210 = vector.bitcast %parallel_loop3A_209 : vector<16xi32> to vector<16xf32>
        %parallel_loop3A_211 = arith.addf %parallel_loop3A_206, %parallel_loop3A_210 : vector<16xf32>
        %parallel_loop3A_212 = arith.constant 16 : i32
        %parallel_loop3A_213 = arith.muli %parallel_loop3A_188, %parallel_loop3A_212 : i32
        %parallel_loop3A_214 = arith.index_cast %parallel_loop3A_213 : i32 to index
        %parallel_loop3A_215 = tpu.vector_load %arg11[%parallel_loop3A_214] {strides = array<i32>} : memref<2560xf32, #tpu.memory_space<vmem>>, vector<16xf32>,
        tpu.vector_store %arg11[%parallel_loop3A_214], %parallel_loop3A_211 {strides = array<i32>} : memref<2560xf32, #tpu.memory_space<vmem>>, vector<16xf32>,
      } {sc.loop_unroll_factor = 16 : i64, sc.parallel_access}
      %mul3A_107 = arith.constant 32 : i32
      %mul3A_108 = arith.muli %mul3A_107, %add3A_83 : i32
      %add3A_109 = arith.addi %add3A, %mul3A_108 : i32
      %rem3A_110 = arith.constant 1250 : i32
      %rem3A_111 = arith.remsi %add3A_109, %rem3A_110 : i32
      %mul3A_112 = arith.constant 2560 : i32
      %mul3A_113 = arith.muli %rem3A_111, %mul3A_112 : i32
      %dma_start3A_114 = tpu.memref_slice %arg4[%mul3A_113] : memref<3200000xf32, #tpu.memory_space<hbm>> -> memref<2560xf32, #tpu.memory_space<hbm>>
      %dma_start3A_115 = tpu.memref_slice %arg4[%mul3A_113] : memref<3200000xf32, #tpu.memory_space<hbm>> -> memref<2560xf32, #tpu.memory_space<hbm>>
      tpu.enqueue_dma source(%arg11 : memref<2560xf32, #tpu.memory_space<vmem>>) target(%dma_start3A_115 : memref<2560xf32, #tpu.memory_space<hbm>>) target_semaphore(%arg19 : memref<!tpu.dma_semaphore, #tpu.memory_space<semaphore_mem>>)
      %mul3A_116 = arith.constant 4 : i32
      %mul3A_117 = arith.muli %mul3A_116, %scan3A_49 : i32
      %add3A_118 = arith.constant 2 : i32
      %add3A_119 = arith.addi %mul3A_117, %add3A_118 : i32
      %add3A_120 = arith.constant 4 : i32
      %add3A_121 = arith.addi %add3A_119, %add3A_120 : i32
      %sub3A_122 = arith.constant 1 : i32
      %sub3A_123 = arith.subi %add3A_121, %sub3A_122 : i32
      %lt3A_124 = arith.constant 40 : i32
      %lt3A_125 = arith.cmpi slt, %sub3A_123, %lt3A_124 : i32
      %convert_element_type3A_126 = arith.extui %lt3A_125 : i1 to i32
      %cond3A_127 = arith.constant 0 : i32
      %cond3A_128 = arith.cmpi ne, %convert_element_type3A_126, %cond3A_127 : i32
      scf.if %cond3A_128 {
        %mul3A_188 = arith.constant 32 : i32
        %mul3A_189 = arith.muli %mul3A_188, %sub3A_123 : i32
        %add3A_190 = arith.addi %add3A, %mul3A_189 : i32
        %rem3A_191 = arith.constant 1250 : i32
        %rem3A_192 = arith.remsi %add3A_190, %rem3A_191 : i32
        %mul3A_193 = arith.constant 2560 : i32
        %mul3A_194 = arith.muli %rem3A_192, %mul3A_193 : i32
        %dma_start3A_195 = arith.constant 0 : i32
        %dma_start3A_196 = tpu.memref_slice %arg2[%dma_start3A_195, %mul3A_194] : memref<2x3200000xi32, #tpu.memory_space<hbm>> -> memref<2x2560xi32, #tpu.memory_space<hbm>>
        %dma_start3A_197 = arith.constant 0 : i32
        %dma_start3A_198 = tpu.memref_slice %arg2[%dma_start3A_197, %mul3A_194] : memref<2x3200000xi32, #tpu.memory_space<hbm>> -> memref<2x2560xi32, #tpu.memory_space<hbm>>
        tpu.enqueue_dma source(%dma_start3A_198 : memref<2x2560xi32, #tpu.memory_space<hbm>>) target(%arg7 : memref<2x2560xi32, #tpu.memory_space<vmem>>) target_semaphore(%arg15 : memref<!tpu.dma_semaphore, #tpu.memory_space<semaphore_mem>>)
      } else {
      }
      %dma_wait3A_129 = arith.constant 0 : i32
      %dma_wait3A_130 = arith.constant 0 : i32
      %dma_wait3A_131 = tpu.memref_slice %arg2[%dma_wait3A_129, %dma_wait3A_130] : memref<2x3200000xi32, #tpu.memory_space<hbm>> -> memref<2x2560xi32, #tpu.memory_space<hbm>>
      %dma_wait3A_132 = arith.constant 0 : i32
      %dma_wait3A_133 = arith.constant 0 : i32
      %dma_wait3A_134 = tpu.memref_slice %arg2[%dma_wait3A_132, %dma_wait3A_133] : memref<2x3200000xi32, #tpu.memory_space<hbm>> -> memref<2x2560xi32, #tpu.memory_space<hbm>>
      tpu.wait_dma2 semaphore(%arg16 : memref<!tpu.dma_semaphore, #tpu.memory_space<semaphore_mem>>) src(%dma_wait3A_134 : memref<2x2560xi32, #tpu.memory_space<hbm>>) dst(%arg8 : memref<2x2560xi32, #tpu.memory_space<vmem>>)
      %gt3A_135 = arith.constant 0 : i32
      %gt3A_136 = arith.cmpi sgt, %scan3A_49, %gt3A_135 : i32
      %convert_element_type3A_137 = arith.extui %gt3A_136 : i1 to i32
      %cond3A_138 = arith.constant 0 : i32
      %cond3A_139 = arith.cmpi ne, %convert_element_type3A_137, %cond3A_138 : i32
      scf.if %cond3A_139 {
        %dma_wait3A_188 = arith.constant 0 : i32
        %dma_wait3A_189 = tpu.memref_slice %arg4[%dma_wait3A_188] : memref<3200000xf32, #tpu.memory_space<hbm>> -> memref<2560xf32, #tpu.memory_space<hbm>>
        %dma_wait3A_190 = arith.constant 0 : i32
        %dma_wait3A_191 = tpu.memref_slice %arg4[%dma_wait3A_190] : memref<3200000xf32, #tpu.memory_space<hbm>> -> memref<2560xf32, #tpu.memory_space<hbm>>
        tpu.wait_dma2 semaphore(%arg20 : memref<!tpu.dma_semaphore, #tpu.memory_space<semaphore_mem>>) src(%arg12 : memref<2560xf32, #tpu.memory_space<vmem>>) dst(%dma_wait3A_191 : memref<2560xf32, #tpu.memory_space<hbm>>)
      } else {
      }
      %parallel_loop3A_140 = arith.constant 0 : i32
      %parallel_loop3A_141 = arith.constant 160 : i32
      %parallel_loop3A_142 = arith.constant 1 : i32
      scf.for %parallel_loop3A_188 = %parallel_loop3A_140 to %parallel_loop3A_141 step %parallel_loop3A_142  : i32 {
        %parallel_loop3A_189 = arith.constant 16 : i32
        %parallel_loop3A_190 = arith.muli %parallel_loop3A_188, %parallel_loop3A_189 : i32
        %parallel_loop3A_191 = arith.constant 0 : i32
        %parallel_loop3A_192 = arith.index_cast %parallel_loop3A_191 : i32 to index
        %parallel_loop3A_193 = arith.index_cast %parallel_loop3A_190 : i32 to index
        %parallel_loop3A_194 = tpu.vector_load %arg8[%parallel_loop3A_192, %parallel_loop3A_193] {strides = array<i32>} : memref<2x2560xi32, #tpu.memory_space<vmem>>, vector<16xi32>,
        %parallel_loop3A_195 = arith.constant 16 : i32
        %parallel_loop3A_196 = arith.muli %parallel_loop3A_188, %parallel_loop3A_195 : i32
        %parallel_loop3A_197 = arith.constant 1 : i32
        %parallel_loop3A_198 = arith.index_cast %parallel_loop3A_197 : i32 to index
        %parallel_loop3A_199 = arith.index_cast %parallel_loop3A_196 : i32 to index
        %parallel_loop3A_200 = tpu.vector_load %arg8[%parallel_loop3A_198, %parallel_loop3A_199] {strides = array<i32>} : memref<2x2560xi32, #tpu.memory_space<vmem>>, vector<16xi32>,
        %parallel_loop3A_201 = tpu.vector_load_idx %arg5[%parallel_loop3A_194] : memref<100096xi32, #tpu.memory_space<vmem>>[vector<16xi32>], vector<16xi32>,
        %parallel_loop3A_202 = tpu.vector_load_idx %arg5[%parallel_loop3A_200] : memref<100096xi32, #tpu.memory_space<vmem>>[vector<16xi32>], vector<16xi32>,
        %parallel_loop3A_203 = arith.constant 16 : i32
        %parallel_loop3A_204 = vector.broadcast %parallel_loop3A_203 : i32 to vector<16xi32>
        %parallel_loop3A_205 = arith.shli %parallel_loop3A_201, %parallel_loop3A_204 : vector<16xi32>
        %parallel_loop3A_206 = vector.bitcast %parallel_loop3A_205 : vector<16xi32> to vector<16xf32>
        %parallel_loop3A_207 = arith.constant -65536 : i32
        %parallel_loop3A_208 = vector.broadcast %parallel_loop3A_207 : i32 to vector<16xi32>
        %parallel_loop3A_209 = arith.andi %parallel_loop3A_202, %parallel_loop3A_208 : vector<16xi32>
        %parallel_loop3A_210 = vector.bitcast %parallel_loop3A_209 : vector<16xi32> to vector<16xf32>
        %parallel_loop3A_211 = arith.addf %parallel_loop3A_206, %parallel_loop3A_210 : vector<16xf32>
        %parallel_loop3A_212 = arith.constant 16 : i32
        %parallel_loop3A_213 = arith.muli %parallel_loop3A_188, %parallel_loop3A_212 : i32
        %parallel_loop3A_214 = arith.index_cast %parallel_loop3A_213 : i32 to index
        %parallel_loop3A_215 = tpu.vector_load %arg12[%parallel_loop3A_214] {strides = array<i32>} : memref<2560xf32, #tpu.memory_space<vmem>>, vector<16xf32>,
        tpu.vector_store %arg12[%parallel_loop3A_214], %parallel_loop3A_211 {strides = array<i32>} : memref<2560xf32, #tpu.memory_space<vmem>>, vector<16xf32>,
      } {sc.loop_unroll_factor = 16 : i64, sc.parallel_access}
      %mul3A_143 = arith.constant 32 : i32
      %mul3A_144 = arith.muli %mul3A_143, %add3A_119 : i32
      %add3A_145 = arith.addi %add3A, %mul3A_144 : i32
      %rem3A_146 = arith.constant 1250 : i32
      %rem3A_147 = arith.remsi %add3A_145, %rem3A_146 : i32
      %mul3A_148 = arith.constant 2560 : i32
      %mul3A_149 = arith.muli %rem3A_147, %mul3A_148 : i32
      %dma_start3A_150 = tpu.memref_slice %arg4[%mul3A_149] : memref<3200000xf32, #tpu.memory_space<hbm>> -> memref<2560xf32, #tpu.memory_space<hbm>>
      %dma_start3A_151 = tpu.memref_slice %arg4[%mul3A_149] : memref<3200000xf32, #tpu.memory_space<hbm>> -> memref<2560xf32, #tpu.memory_space<hbm>>
      tpu.enqueue_dma source(%arg12 : memref<2560xf32, #tpu.memory_space<vmem>>) target(%dma_start3A_151 : memref<2560xf32, #tpu.memory_space<hbm>>) target_semaphore(%arg20 : memref<!tpu.dma_semaphore, #tpu.memory_space<semaphore_mem>>)
      %mul3A_152 = arith.constant 4 : i32
      %mul3A_153 = arith.muli %mul3A_152, %scan3A_49 : i32
      %add3A_154 = arith.constant 3 : i32
      %add3A_155 = arith.addi %mul3A_153, %add3A_154 : i32
      %add3A_156 = arith.constant 4 : i32
      %add3A_157 = arith.addi %add3A_155, %add3A_156 : i32
      %sub3A_158 = arith.constant 1 : i32
      %sub3A_159 = arith.subi %add3A_157, %sub3A_158 : i32
      %lt3A_160 = arith.constant 40 : i32
      %lt3A_161 = arith.cmpi slt, %sub3A_159, %lt3A_160 : i32
      %convert_element_type3A_162 = arith.extui %lt3A_161 : i1 to i32
      %cond3A_163 = arith.constant 0 : i32
      %cond3A_164 = arith.cmpi ne, %convert_element_type3A_162, %cond3A_163 : i32
      scf.if %cond3A_164 {
        %mul3A_188 = arith.constant 32 : i32
        %mul3A_189 = arith.muli %mul3A_188, %sub3A_159 : i32
        %add3A_190 = arith.addi %add3A, %mul3A_189 : i32
        %rem3A_191 = arith.constant 1250 : i32
        %rem3A_192 = arith.remsi %add3A_190, %rem3A_191 : i32
        %mul3A_193 = arith.constant 2560 : i32
        %mul3A_194 = arith.muli %rem3A_192, %mul3A_193 : i32
        %dma_start3A_195 = arith.constant 0 : i32
        %dma_start3A_196 = tpu.memref_slice %arg2[%dma_start3A_195, %mul3A_194] : memref<2x3200000xi32, #tpu.memory_space<hbm>> -> memref<2x2560xi32, #tpu.memory_space<hbm>>
        %dma_start3A_197 = arith.constant 0 : i32
        %dma_start3A_198 = tpu.memref_slice %arg2[%dma_start3A_197, %mul3A_194] : memref<2x3200000xi32, #tpu.memory_space<hbm>> -> memref<2x2560xi32, #tpu.memory_space<hbm>>
        tpu.enqueue_dma source(%dma_start3A_198 : memref<2x2560xi32, #tpu.memory_space<hbm>>) target(%arg8 : memref<2x2560xi32, #tpu.memory_space<vmem>>) target_semaphore(%arg16 : memref<!tpu.dma_semaphore, #tpu.memory_space<semaphore_mem>>)
      } else {
      }
      %dma_wait3A_165 = arith.constant 0 : i32
      %dma_wait3A_166 = arith.constant 0 : i32
      %dma_wait3A_167 = tpu.memref_slice %arg2[%dma_wait3A_165, %dma_wait3A_166] : memref<2x3200000xi32, #tpu.memory_space<hbm>> -> memref<2x2560xi32, #tpu.memory_space<hbm>>
      %dma_wait3A_168 = arith.constant 0 : i32
      %dma_wait3A_169 = arith.constant 0 : i32
      %dma_wait3A_170 = tpu.memref_slice %arg2[%dma_wait3A_168, %dma_wait3A_169] : memref<2x3200000xi32, #tpu.memory_space<hbm>> -> memref<2x2560xi32, #tpu.memory_space<hbm>>
      tpu.wait_dma2 semaphore(%arg17 : memref<!tpu.dma_semaphore, #tpu.memory_space<semaphore_mem>>) src(%dma_wait3A_170 : memref<2x2560xi32, #tpu.memory_space<hbm>>) dst(%arg9 : memref<2x2560xi32, #tpu.memory_space<vmem>>)
      %gt3A_171 = arith.constant 0 : i32
      %gt3A_172 = arith.cmpi sgt, %scan3A_49, %gt3A_171 : i32
      %convert_element_type3A_173 = arith.extui %gt3A_172 : i1 to i32
      %cond3A_174 = arith.constant 0 : i32
      %cond3A_175 = arith.cmpi ne, %convert_element_type3A_173, %cond3A_174 : i32
      scf.if %cond3A_175 {
        %dma_wait3A_188 = arith.constant 0 : i32
        %dma_wait3A_189 = tpu.memref_slice %arg4[%dma_wait3A_188] : memref<3200000xf32, #tpu.memory_space<hbm>> -> memref<2560xf32, #tpu.memory_space<hbm>>
        %dma_wait3A_190 = arith.constant 0 : i32
        %dma_wait3A_191 = tpu.memref_slice %arg4[%dma_wait3A_190] : memref<3200000xf32, #tpu.memory_space<hbm>> -> memref<2560xf32, #tpu.memory_space<hbm>>
        tpu.wait_dma2 semaphore(%arg21 : memref<!tpu.dma_semaphore, #tpu.memory_space<semaphore_mem>>) src(%arg13 : memref<2560xf32, #tpu.memory_space<vmem>>) dst(%dma_wait3A_191 : memref<2560xf32, #tpu.memory_space<hbm>>)
      } else {
      }
      %parallel_loop3A_176 = arith.constant 0 : i32
      %parallel_loop3A_177 = arith.constant 160 : i32
      %parallel_loop3A_178 = arith.constant 1 : i32
      scf.for %parallel_loop3A_188 = %parallel_loop3A_176 to %parallel_loop3A_177 step %parallel_loop3A_178  : i32 {
        %parallel_loop3A_189 = arith.constant 16 : i32
        %parallel_loop3A_190 = arith.muli %parallel_loop3A_188, %parallel_loop3A_189 : i32
        %parallel_loop3A_191 = arith.constant 0 : i32
        %parallel_loop3A_192 = arith.index_cast %parallel_loop3A_191 : i32 to index
        %parallel_loop3A_193 = arith.index_cast %parallel_loop3A_190 : i32 to index
        %parallel_loop3A_194 = tpu.vector_load %arg9[%parallel_loop3A_192, %parallel_loop3A_193] {strides = array<i32>} : memref<2x2560xi32, #tpu.memory_space<vmem>>, vector<16xi32>,
        %parallel_loop3A_195 = arith.constant 16 : i32
        %parallel_loop3A_196 = arith.muli %parallel_loop3A_188, %parallel_loop3A_195 : i32
        %parallel_loop3A_197 = arith.constant 1 : i32
        %parallel_loop3A_198 = arith.index_cast %parallel_loop3A_197 : i32 to index
        %parallel_loop3A_199 = arith.index_cast %parallel_loop3A_196 : i32 to index
        %parallel_loop3A_200 = tpu.vector_load %arg9[%parallel_loop3A_198, %parallel_loop3A_199] {strides = array<i32>} : memref<2x2560xi32, #tpu.memory_space<vmem>>, vector<16xi32>,
        %parallel_loop3A_201 = tpu.vector_load_idx %arg5[%parallel_loop3A_194] : memref<100096xi32, #tpu.memory_space<vmem>>[vector<16xi32>], vector<16xi32>,
        %parallel_loop3A_202 = tpu.vector_load_idx %arg5[%parallel_loop3A_200] : memref<100096xi32, #tpu.memory_space<vmem>>[vector<16xi32>], vector<16xi32>,
        %parallel_loop3A_203 = arith.constant 16 : i32
        %parallel_loop3A_204 = vector.broadcast %parallel_loop3A_203 : i32 to vector<16xi32>
        %parallel_loop3A_205 = arith.shli %parallel_loop3A_201, %parallel_loop3A_204 : vector<16xi32>
        %parallel_loop3A_206 = vector.bitcast %parallel_loop3A_205 : vector<16xi32> to vector<16xf32>
        %parallel_loop3A_207 = arith.constant -65536 : i32
        %parallel_loop3A_208 = vector.broadcast %parallel_loop3A_207 : i32 to vector<16xi32>
        %parallel_loop3A_209 = arith.andi %parallel_loop3A_202, %parallel_loop3A_208 : vector<16xi32>
        %parallel_loop3A_210 = vector.bitcast %parallel_loop3A_209 : vector<16xi32> to vector<16xf32>
        %parallel_loop3A_211 = arith.addf %parallel_loop3A_206, %parallel_loop3A_210 : vector<16xf32>
        %parallel_loop3A_212 = arith.constant 16 : i32
        %parallel_loop3A_213 = arith.muli %parallel_loop3A_188, %parallel_loop3A_212 : i32
        %parallel_loop3A_214 = arith.index_cast %parallel_loop3A_213 : i32 to index
        %parallel_loop3A_215 = tpu.vector_load %arg13[%parallel_loop3A_214] {strides = array<i32>} : memref<2560xf32, #tpu.memory_space<vmem>>, vector<16xf32>,
        tpu.vector_store %arg13[%parallel_loop3A_214], %parallel_loop3A_211 {strides = array<i32>} : memref<2560xf32, #tpu.memory_space<vmem>>, vector<16xf32>,
      } {sc.loop_unroll_factor = 16 : i64, sc.parallel_access}
      %mul3A_179 = arith.constant 32 : i32
      %mul3A_180 = arith.muli %mul3A_179, %add3A_155 : i32
      %add3A_181 = arith.addi %add3A, %mul3A_180 : i32
      %rem3A_182 = arith.constant 1250 : i32
      %rem3A_183 = arith.remsi %add3A_181, %rem3A_182 : i32
      %mul3A_184 = arith.constant 2560 : i32
      %mul3A_185 = arith.muli %rem3A_183, %mul3A_184 : i32
      %dma_start3A_186 = tpu.memref_slice %arg4[%mul3A_185] : memref<3200000xf32, #tpu.memory_space<hbm>> -> memref<2560xf32, #tpu.memory_space<hbm>>
      %dma_start3A_187 = tpu.memref_slice %arg4[%mul3A_185] : memref<3200000xf32, #tpu.memory_space<hbm>> -> memref<2560xf32, #tpu.memory_space<hbm>>
      tpu.enqueue_dma source(%arg13 : memref<2560xf32, #tpu.memory_space<vmem>>) target(%dma_start3A_187 : memref<2560xf32, #tpu.memory_space<hbm>>) target_semaphore(%arg21 : memref<!tpu.dma_semaphore, #tpu.memory_space<semaphore_mem>>)
    }
    %scan3A_33 = arith.constant 10 : i32
    %dma_wait3A = arith.constant 0 : i32
    %dma_wait3A_34 = tpu.memref_slice %arg4[%dma_wait3A] : memref<3200000xf32, #tpu.memory_space<hbm>> -> memref<2560xf32, #tpu.memory_space<hbm>>
    %dma_wait3A_35 = arith.constant 0 : i32
    %dma_wait3A_36 = tpu.memref_slice %arg4[%dma_wait3A_35] : memref<3200000xf32, #tpu.memory_space<hbm>> -> memref<2560xf32, #tpu.memory_space<hbm>>
    tpu.wait_dma2 semaphore(%arg18 : memref<!tpu.dma_semaphore, #tpu.memory_space<semaphore_mem>>) src(%arg10 : memref<2560xf32, #tpu.memory_space<vmem>>) dst(%dma_wait3A_36 : memref<2560xf32, #tpu.memory_space<hbm>>)
    %dma_wait3A_37 = arith.constant 0 : i32
    %dma_wait3A_38 = tpu.memref_slice %arg4[%dma_wait3A_37] : memref<3200000xf32, #tpu.memory_space<hbm>> -> memref<2560xf32, #tpu.memory_space<hbm>>
    %dma_wait3A_39 = arith.constant 0 : i32
    %dma_wait3A_40 = tpu.memref_slice %arg4[%dma_wait3A_39] : memref<3200000xf32, #tpu.memory_space<hbm>> -> memref<2560xf32, #tpu.memory_space<hbm>>
    tpu.wait_dma2 semaphore(%arg19 : memref<!tpu.dma_semaphore, #tpu.memory_space<semaphore_mem>>) src(%arg11 : memref<2560xf32, #tpu.memory_space<vmem>>) dst(%dma_wait3A_40 : memref<2560xf32, #tpu.memory_space<hbm>>)
    %dma_wait3A_41 = arith.constant 0 : i32
    %dma_wait3A_42 = tpu.memref_slice %arg4[%dma_wait3A_41] : memref<3200000xf32, #tpu.memory_space<hbm>> -> memref<2560xf32, #tpu.memory_space<hbm>>
    %dma_wait3A_43 = arith.constant 0 : i32
    %dma_wait3A_44 = tpu.memref_slice %arg4[%dma_wait3A_43] : memref<3200000xf32, #tpu.memory_space<hbm>> -> memref<2560xf32, #tpu.memory_space<hbm>>
    tpu.wait_dma2 semaphore(%arg20 : memref<!tpu.dma_semaphore, #tpu.memory_space<semaphore_mem>>) src(%arg12 : memref<2560xf32, #tpu.memory_space<vmem>>) dst(%dma_wait3A_44 : memref<2560xf32, #tpu.memory_space<hbm>>)
    %dma_wait3A_45 = arith.constant 0 : i32
    %dma_wait3A_46 = tpu.memref_slice %arg4[%dma_wait3A_45] : memref<3200000xf32, #tpu.memory_space<hbm>> -> memref<2560xf32, #tpu.memory_space<hbm>>
    %dma_wait3A_47 = arith.constant 0 : i32
    %dma_wait3A_48 = tpu.memref_slice %arg4[%dma_wait3A_47] : memref<3200000xf32, #tpu.memory_space<hbm>> -> memref<2560xf32, #tpu.memory_space<hbm>>
    tpu.wait_dma2 semaphore(%arg21 : memref<!tpu.dma_semaphore, #tpu.memory_space<semaphore_mem>>) src(%arg13 : memref<2560xf32, #tpu.memory_space<vmem>>) dst(%dma_wait3A_48 : memref<2560xf32, #tpu.memory_space<hbm>>)
    return
  }
}

module attributes {stable_mosaic.version = 14 : i64} {
  func.func @_proj_pack_body(%arg0: memref<16xf32, #tpu.memory_space<smem>>, %arg1: memref<8x100096xf32, #tpu.memory_space<vmem>>, %arg2: memref<100096xi32, #tpu.memory_space<vmem>>) attributes {dimension_semantics = [], scalar_prefetch = 0 : i64, scratch_operands = 0 : i64, tpu.core_type = #tpu.core_type<tc>} {
    %get3A = arith.constant 10 : index
    %get3A_0 = memref.load %arg0[%get3A] : memref<16xf32, #tpu.memory_space<smem>>
    %broadcast_in_dim3A = arith.constant 1.000000e+00 : f32
    %broadcast_in_dim3A_1 = vector.broadcast %broadcast_in_dim3A : f32 to vector<1x100096xf32>
    %mul3A = vector.broadcast %get3A_0 : f32 to vector<1x100096xf32>
    %mul3A_2 = arith.mulf %mul3A, %broadcast_in_dim3A_1 : vector<1x100096xf32>
    %broadcast_in_dim3A_3 = arith.constant 0.000000e+00 : f32
    %broadcast_in_dim3A_4 = vector.broadcast %broadcast_in_dim3A_3 : f32 to vector<1x100096xf32>
    %get3A_5 = arith.constant 0 : index
    %get3A_6 = arith.constant 0 : index
    %get3A_7 = vector.load %arg1[%get3A_5, %get3A_6] : memref<8x100096xf32, #tpu.memory_space<vmem>>, vector<1x100096xf32>
    %get3A_8 = arith.constant 0 : index
    %get3A_9 = memref.load %arg0[%get3A_8] : memref<16xf32, #tpu.memory_space<smem>>
    %mul3A_10 = vector.broadcast %get3A_9 : f32 to vector<1x100096xf32>
    %mul3A_11 = arith.mulf %mul3A_10, %get3A_7 : vector<1x100096xf32>
    %add3A = arith.addf %mul3A_2, %mul3A_11 : vector<1x100096xf32>
    %get3A_12 = arith.constant 5 : index
    %get3A_13 = memref.load %arg0[%get3A_12] : memref<16xf32, #tpu.memory_space<smem>>
    %mul3A_14 = vector.broadcast %get3A_13 : f32 to vector<1x100096xf32>
    %mul3A_15 = arith.mulf %mul3A_14, %get3A_7 : vector<1x100096xf32>
    %add3A_16 = arith.addf %broadcast_in_dim3A_4, %mul3A_15 : vector<1x100096xf32>
    %get3A_17 = arith.constant 1 : index
    %get3A_18 = arith.constant 0 : index
    %get3A_19 = vector.load %arg1[%get3A_17, %get3A_18] : memref<8x100096xf32, #tpu.memory_space<vmem>>, vector<1x100096xf32>
    %get3A_20 = arith.constant 1 : index
    %get3A_21 = memref.load %arg0[%get3A_20] : memref<16xf32, #tpu.memory_space<smem>>
    %mul3A_22 = vector.broadcast %get3A_21 : f32 to vector<1x100096xf32>
    %mul3A_23 = arith.mulf %mul3A_22, %get3A_19 : vector<1x100096xf32>
    %add3A_24 = arith.addf %add3A, %mul3A_23 : vector<1x100096xf32>
    %get3A_25 = arith.constant 6 : index
    %get3A_26 = memref.load %arg0[%get3A_25] : memref<16xf32, #tpu.memory_space<smem>>
    %mul3A_27 = vector.broadcast %get3A_26 : f32 to vector<1x100096xf32>
    %mul3A_28 = arith.mulf %mul3A_27, %get3A_19 : vector<1x100096xf32>
    %add3A_29 = arith.addf %add3A_16, %mul3A_28 : vector<1x100096xf32>
    %get3A_30 = arith.constant 2 : index
    %get3A_31 = arith.constant 0 : index
    %get3A_32 = vector.load %arg1[%get3A_30, %get3A_31] : memref<8x100096xf32, #tpu.memory_space<vmem>>, vector<1x100096xf32>
    %get3A_33 = arith.constant 2 : index
    %get3A_34 = memref.load %arg0[%get3A_33] : memref<16xf32, #tpu.memory_space<smem>>
    %mul3A_35 = vector.broadcast %get3A_34 : f32 to vector<1x100096xf32>
    %mul3A_36 = arith.mulf %mul3A_35, %get3A_32 : vector<1x100096xf32>
    %add3A_37 = arith.addf %add3A_24, %mul3A_36 : vector<1x100096xf32>
    %get3A_38 = arith.constant 7 : index
    %get3A_39 = memref.load %arg0[%get3A_38] : memref<16xf32, #tpu.memory_space<smem>>
    %mul3A_40 = vector.broadcast %get3A_39 : f32 to vector<1x100096xf32>
    %mul3A_41 = arith.mulf %mul3A_40, %get3A_32 : vector<1x100096xf32>
    %add3A_42 = arith.addf %add3A_29, %mul3A_41 : vector<1x100096xf32>
    %get3A_43 = arith.constant 3 : index
    %get3A_44 = arith.constant 0 : index
    %get3A_45 = vector.load %arg1[%get3A_43, %get3A_44] : memref<8x100096xf32, #tpu.memory_space<vmem>>, vector<1x100096xf32>
    %get3A_46 = arith.constant 3 : index
    %get3A_47 = memref.load %arg0[%get3A_46] : memref<16xf32, #tpu.memory_space<smem>>
    %mul3A_48 = vector.broadcast %get3A_47 : f32 to vector<1x100096xf32>
    %mul3A_49 = arith.mulf %mul3A_48, %get3A_45 : vector<1x100096xf32>
    %add3A_50 = arith.addf %add3A_37, %mul3A_49 : vector<1x100096xf32>
    %get3A_51 = arith.constant 8 : index
    %get3A_52 = memref.load %arg0[%get3A_51] : memref<16xf32, #tpu.memory_space<smem>>
    %mul3A_53 = vector.broadcast %get3A_52 : f32 to vector<1x100096xf32>
    %mul3A_54 = arith.mulf %mul3A_53, %get3A_45 : vector<1x100096xf32>
    %add3A_55 = arith.addf %add3A_42, %mul3A_54 : vector<1x100096xf32>
    %get3A_56 = arith.constant 4 : index
    %get3A_57 = arith.constant 0 : index
    %get3A_58 = vector.load %arg1[%get3A_56, %get3A_57] : memref<8x100096xf32, #tpu.memory_space<vmem>>, vector<1x100096xf32>
    %get3A_59 = arith.constant 4 : index
    %get3A_60 = memref.load %arg0[%get3A_59] : memref<16xf32, #tpu.memory_space<smem>>
    %mul3A_61 = vector.broadcast %get3A_60 : f32 to vector<1x100096xf32>
    %mul3A_62 = arith.mulf %mul3A_61, %get3A_58 : vector<1x100096xf32>
    %add3A_63 = arith.addf %add3A_50, %mul3A_62 : vector<1x100096xf32>
    %get3A_64 = arith.constant 9 : index
    %get3A_65 = memref.load %arg0[%get3A_64] : memref<16xf32, #tpu.memory_space<smem>>
    %mul3A_66 = vector.broadcast %get3A_65 : f32 to vector<1x100096xf32>
    %mul3A_67 = arith.mulf %mul3A_66, %get3A_58 : vector<1x100096xf32>
    %add3A_68 = arith.addf %add3A_55, %mul3A_67 : vector<1x100096xf32>
    %bitcast_convert_type3A = tpu.bitcast %add3A_63 : vector<1x100096xf32> -> vector<1x100096xi32>
    %add3A_69 = arith.constant 32767 : i32
    %add3A_70 = vector.broadcast %add3A_69 : i32 to vector<1x100096xi32>
    %add3A_71 = arith.addi %bitcast_convert_type3A, %add3A_70 : vector<1x100096xi32>
    %shift_right_logical3A = arith.constant 16 : i32
    %shift_right_logical3A_72 = vector.broadcast %shift_right_logical3A : i32 to vector<1x100096xi32>
    %shift_right_logical3A_73 = arith.shrui %bitcast_convert_type3A, %shift_right_logical3A_72 : vector<1x100096xi32>
    %and3A = arith.constant 1 : i32
    %and3A_74 = vector.broadcast %and3A : i32 to vector<1x100096xi32>
    %and3A_75 = arith.andi %shift_right_logical3A_73, %and3A_74 : vector<1x100096xi32>
    %add3A_76 = arith.addi %add3A_71, %and3A_75 : vector<1x100096xi32>
    %shift_right_logical3A_77 = arith.constant 16 : i32
    %shift_right_logical3A_78 = vector.broadcast %shift_right_logical3A_77 : i32 to vector<1x100096xi32>
    %shift_right_logical3A_79 = arith.shrui %add3A_76, %shift_right_logical3A_78 : vector<1x100096xi32>
    %bitcast_convert_type3A_80 = tpu.bitcast %add3A_68 : vector<1x100096xf32> -> vector<1x100096xi32>
    %add3A_81 = arith.constant 32767 : i32
    %add3A_82 = vector.broadcast %add3A_81 : i32 to vector<1x100096xi32>
    %add3A_83 = arith.addi %bitcast_convert_type3A_80, %add3A_82 : vector<1x100096xi32>
    %shift_right_logical3A_84 = arith.constant 16 : i32
    %shift_right_logical3A_85 = vector.broadcast %shift_right_logical3A_84 : i32 to vector<1x100096xi32>
    %shift_right_logical3A_86 = arith.shrui %bitcast_convert_type3A_80, %shift_right_logical3A_85 : vector<1x100096xi32>
    %and3A_87 = arith.constant 1 : i32
    %and3A_88 = vector.broadcast %and3A_87 : i32 to vector<1x100096xi32>
    %and3A_89 = arith.andi %shift_right_logical3A_86, %and3A_88 : vector<1x100096xi32>
    %add3A_90 = arith.addi %add3A_83, %and3A_89 : vector<1x100096xi32>
    %and3A_91 = arith.constant -65536 : i32
    %and3A_92 = vector.broadcast %and3A_91 : i32 to vector<1x100096xi32>
    %and3A_93 = arith.andi %add3A_90, %and3A_92 : vector<1x100096xi32>
    %or3A = arith.ori %and3A_93, %shift_right_logical3A_79 : vector<1x100096xi32>
    %bitcast_convert_type3A_94 = tpu.bitcast %or3A : vector<1x100096xi32> -> vector<1x100096xi32>
    %reshape3A = vector.shape_cast %bitcast_convert_type3A_94 : vector<1x100096xi32> to vector<100096xi32>
    %swap3A = arith.constant 0 : index
    %swap3A_95 = vector.load %arg2[%swap3A] : memref<100096xi32, #tpu.memory_space<vmem>>, vector<100096xi32>
    tpu.vector_store %arg2[%swap3A], %reshape3A {strides = array<i32>} : memref<100096xi32, #tpu.memory_space<vmem>>, vector<100096xi32>,
    return
  }
}

</mosaic_0001>

<sc_bundles>
// kernel: kernel.4.cloned.1.call-start
scs
__scs_entry_jumppad:
0x0: {  	(pc) =	sbr.rel $0x88, $3  }
0x1: {  	(tag) =	ssettag $0x0;
	lr =	simm.s32 $0x1  }
0x2: {  	[smem:$0x3F9D] =	sst lr;
	_ =	strace $0xD0000000  }
0x3: {  	_ = 	snop  }
0x4: {  	_ = 	snop  }
0x5: {  	_ = 	snop  }
0x6: {  	_ = 	snop  }
0x7: {  	_ = 	snop  }
__scs_overlays_trampoline_lowered:
0x8: {  	[smem:$0x3FAC] =	sst s0  }
0x9: {  	[smem:$0x3FAD] =	sst s1  }
0xa: {  	[smem:$0x3FAE] =	sst s2  }
0xb: {  	[smem:$0x3FAF] =	sst s3  }
0xc: {  	[smem:$0x3FB0] =	sst s4  }
0xd: {  	[smem:$0x3FB1] =	sst s5  }
0xe: {  	[smem:$0x3FB2] =	sst s6  }
0xf: {  	[smem:$0x3FB3] =	sst s7  }
0x10: {  	[smem:$0x3FB4] =	sst s8  }
0x11: {  	[smem:$0x3FB5] =	sst s9;
	s0 =	simm.s32 @!p0 $0x0  }
0x12: {  	s1 =	sld [smem:$0x3F9B];
	s0 =	simm.s32 @p0 $0x1  }
0x13: {  	[smem:$0x3FB6] =	sst s0;
	s0 =	simm.s32 @!p1 $0x0  }
0x14: {  	s2 =	sld [smem:$0x3F9A];
	s0 =	simm.s32 @p1 $0x1  }
0x15: {  	[smem:$0x3FB7] =	sst s0;
	s0 =	simm.s32 @!p2 $0x0  }
0x16: {  	s3 =	sld [smem:$0x3FDB];
	s0 =	simm.s32 @p2 $0x1  }
0x17: {  	s4 =	simm.s32 $0x1BF5;
	[smem:$0x3FB9] =	sst s0  }
0x18: {  	s0 =	sld [smem:$0x3F9C];
	_ =	swait.ge [sflag:s4], $0x0  }
0x19: {  	s7 =	sld [smem:$0x3F9D]  }
0x1a: {  	s8 =	sadd.s32 $0xFFFFE003, lr  }
0x1b: {  	s9 =	sadd.s32 $0xFFFFFEF7, lr;
	s5 =	simm.s32 $0xFFFFFFFF;
	p2 =	slt.u32 s8, $0xFFFFF086  }
0x1c: {  	p1 =	slt.u32 s9, $0xF7A;
	s5 =	simm.s32 @!p2 $0x0  }
0x1d: {  	s5 =	simm.s32 @p1 $0x1;
	p0 =	seq.s32 s7, s2  }
0x1e: {  	s7 =	smul.u32 @!p0 $0xF7A, s2;
	p2 =	seq.s32 @!p0 s5, $0x0  }
0x1f: {  	s9 =	smul.u32 $0xF7A, s1;
	s8 =	simm.s32 @!p0 $0x1BF5;
	p2 =	por !p2, p0  }
0x20: {  	[sflag:s8] =	ssyncset.s32 @!p0 $0xFFFFF086;
	s6 =	sadd.s32 @!p0 s3, s7;
	s7 =	simm.s32 @!p0 $0x108  }
0x21: {  	s3 =	sadd.s32 s3, s9;
	s6 =	sadd.s32 @!p0 $0x88, s6;
	s7 =	simm.s32 @p2 $0x1082  }
0x22: {  	[simem:s7], [sflag:s8] =	dma.local @!p0 [hbm:s6], $0xF7A  }
0x23: {  	s9 =	sor.u32 $0xD0000000, s2;
	s6 =	simm.s32 $0x108;
	_ =	swait.ge @!p0 [sflag:s8], $0x0  }
0x24: {  	s3 =	sadd.s32 $0x88, s3;
	s6 =	simm.s32 @!p1 $0x1082;
	[sflag:s4] =	ssyncset.s32 $0xFFFFF086  }
0x25: {  	[simem:s6], [sflag:s4] =	dma.local [hbm:s3], $0xF7A  }
0x26: {  	[smem:$0x3F9D] =	sst s1;
	(tag) =	ssettag s2;
	_ =	strace s9  }
0x27: {  	s1 =	sld [smem:$0x3FAD]  }
0x28: {  	s2 =	sld [smem:$0x3FAE]  }
0x29: {  	s4 =	sld [smem:$0x3FB0]  }
0x2a: {  	p0 =	seq.s32 s5, $0x0;
	s5 =	sld [smem:$0x3FB1]  }
0x2b: {  	s6 =	sld [smem:$0x3FB2]  }
0x2c: {  	s7 =	sld [smem:$0x3FB3]  }
0x2d: {  	s3 =	simm.s32 $0x108;
	s8 =	sld [smem:$0x3FB4]  }
0x2e: {  	s3 =	simm.s32 @!p0 $0x1082;
	s9 =	sld [smem:$0x3FB5]  }
0x2f: {  	lr =	sadd.s32 s0, s3;
	s0 =	sld [smem:$0x3FAC]  }
0x30: {  	s3 =	sld [smem:$0x3FAF]  }
0x31: {  	[smem:$0x3FB8] =	sst s10  }
0x32: {  	s10 =	sld [smem:$0x3FB6];
	_ =	sdelay $0x3  }
0x33: {  	p0 =	seq.s32 s10, $0x1;
	s10 =	sld [smem:$0x3FB8];
	_ =	sdelay $0x3  }
0x34: {  	[smem:$0x3FB8] =	sst s10  }
0x35: {  	s10 =	sld [smem:$0x3FB7];
	_ =	sdelay $0x3  }
0x36: {  	p1 =	seq.s32 s10, $0x1;
	s10 =	sld [smem:$0x3FB8];
	_ =	sdelay $0x3  }
0x37: {  	[smem:$0x3FB8] =	sst s10  }
0x38: {  	s10 =	sld [smem:$0x3FB9]  }
0x39: {  	_ = 	snop;
	(pc) =	sbr.ind lr, $3  }
0x3a: {  	_ = 	snop  }
0x3b: {  	_ = 	snop  }
0x3c: {  	p2 =	seq.s32 s10, $0x1;
	s10 =	sld [smem:$0x3FB8]  }
0x3d: {  	_ =	shalt  }
0x3e: {  	_ =	shalt  }
0x3f: {  	_ =	shalt  }
0x40: {  	_ =	shalt  }
0x41: {  	_ =	shalt  }
0x42: {  	_ =	shalt  }
0x43: {  	_ =	shalt  }
0x44: {  	_ =	shalt  }
0x45: {  	_ =	shalt  }
0x46: {  	_ =	shalt  }
0x47: {  	_ =	shalt  }
0x48: {  	_ =	shalt  }
0x49: {  	_ =	shalt  }
0x4a: {  	_ =	shalt  }
0x4b: {  	_ =	shalt  }
0x4c: {  	_ =	shalt  }
0x4d: {  	_ =	shalt  }
0x4e: {  	_ =	shalt  }
0x4f: {  	_ =	shalt  }
0x50: {  	_ =	shalt  }
0x51: {  	_ =	shalt  }
0x52: {  	_ =	shalt  }
0x53: {  	_ =	shalt  }
0x54: {  	_ =	shalt  }
0x55: {  	_ =	shalt  }
0x56: {  	_ =	shalt  }
0x57: {  	_ =	shalt  }
0x58: {  	_ =	shalt  }
0x59: {  	_ =	shalt  }
0x5a: {  	_ =	shalt  }
0x5b: {  	_ =	shalt  }
0x5c: {  	_ =	shalt  }
0x5d: {  	_ =	shalt  }
0x5e: {  	_ =	shalt  }
0x5f: {  	_ =	shalt  }
0x60: {  	_ =	shalt  }
0x61: {  	_ =	shalt  }
0x62: {  	_ =	shalt  }
0x63: {  	_ =	shalt  }
0x64: {  	_ =	shalt  }
0x65: {  	_ =	shalt  }
0x66: {  	_ =	shalt  }
0x67: {  	_ =	shalt  }
0x68: {  	_ =	shalt  }
0x69: {  	_ =	shalt  }
0x6a: {  	_ =	shalt  }
0x6b: {  	_ =	shalt  }
0x6c: {  	_ =	shalt  }
0x6d: {  	_ =	shalt  }
0x6e: {  	_ =	shalt  }
0x6f: {  	_ =	shalt  }
0x70: {  	_ =	shalt  }
0x71: {  	_ =	shalt  }
0x72: {  	_ =	shalt  }
0x73: {  	_ =	shalt  }
0x74: {  	_ =	shalt  }
0x75: {  	_ =	shalt  }
0x76: {  	_ =	shalt  }
0x77: {  	_ =	shalt  }
0x78: {  	_ =	shalt  }
0x79: {  	_ =	shalt  }
0x7a: {  	_ =	shalt  }
0x7b: {  	_ =	shalt  }
0x7c: {  	_ =	shalt  }
0x7d: {  	_ =	shalt  }
0x7e: {  	_ =	shalt  }
0x7f: {  	_ =	shalt  }
0x80: {  	_ =	shalt  }
0x81: {  	_ =	shalt  }
0x82: {  	_ =	shalt  }
0x83: {  	_ =	shalt  }
0x84: {  	_ =	shalt  }
0x85: {  	_ =	shalt  }
0x86: {  	_ =	shalt  }
0x87: {  	_ =	shalt  }
.Lfunc_end0:
.L_simem_size_0:
called_computation_lowered:
.L_overlay_start_0:
0x88: {  	s2 =	sld [smem:$0x3FD9]  }
0x89: {  	s3 =	sld [smem:$0x3FFE];
	_ =	sdelay $0x1  }
0x8a: {  	s1 =	srdreg.scid  }
0x8b: {  	s0 =	sand.u32 $0x1, s1  }
0x8c: {  	s17 =	sshll.u32 s0, $0xA;
	s2 =	sadd.s32 s3, s2  }
0x8d: {  	s2 =	sadd.s32 s2, s17  }
0x8e: {  	[smem:$0x3FC4] =	sst s2  }
0x8f: {  	_ = 	snop  }
0x90: {  	s2 =	sld [smem:$0x3FC8]  }
0x91: {  	s18 =	sld [smem:$0x3FD0];
	(tm) =	ssettm $0x1  }
0x92: {  	s4 =	sld [smem:$0x3FFB];
	_ =	sdelay $0x3  }
0x93: {  	_ =	strace s4  }
0x94: {  	s4 =	sld [smem:$0x3FFC];
	_ =	sdelay $0x3  }
0x95: {  	_ =	strace s4  }
0x96: {  	s4 =	sld [smem:$0x3FFD];
	_ =	sdelay $0x3  }
0x97: {  	_ =	strace s4  }
0x98: {  	_ =	strace $0x8FFFFFFF  }
0x99: {  	s19 =	sld [smem:$0x3FDB];
	_ =	sdelay $0x1  }
0x9a: {  	s5 =	simm.s32 $_scs_section_size  }
0x9b: {  	s6 =	simm.s32 $_size__tile_overlayer_lowered;
	s7 =	simm.s32 $_tile_overlayer_lowered  }
0x9c: {  	s22 =	simm.s32 $0x1BFF;
	s21 =	sshll.u32 s7, $0x1;
	s4 =	sadd.s32 s5, s19  }
0x9d: {  	s8 =	simm.s32 $0x0;
	s20 =	sshll.u32 s6, $0x1;
	s6 =	sadd.s32 s21, s4  }
0x9e: {  	[timem:s8], [sflag:s22] =	dma.local [hbm:s6], s20  }
0x9f: {  	_ =	swait.ge [sflag:s22], s20  }
0xa0: {  	s5 =	ssub.s32 $0x0, s20;
	[sflag:s22] =	ssyncset.done $0x0  }
0xa1: {  	[sflag:s22] =	ssyncadd.s32 s5;
	_ =	sdelay $0x1  }
0xa2: {  	s23 =	simm.s32 $0x1B8B  }
0xa3: {  	_ =	swait.ge [sflag:s23], $0x1  }
0xa4: {  	[sflag:s23] =	ssyncset.done $0x0  }
0xa5: {  	s25 =	simm.s32 $0x1B8E;
	s24 =	sld [smem:$0x3FFE];
	[sflag:s23] =	ssyncadd.s32 $0xFFFFFFFF  }
0xa6: {  	s26 =	simm.s32 $execute0_lowered;
	[smem:$0x3FD2] =	sst s25  }
0xa7: {  	s6 =	sshll.u32 s26, $0x1;
	_ =	strace $0x80000046;
	[dreg:$0x1] =	wrdreg $0xFFFFFFFF  }
0xa8: {  	s28 =	simm.s32 $_size_execute0_lowered;
	s4 =	sadd.s32 s4, s6;
	[dreg:$0x0] =	wrdreg $0x0  }
0xa9: {  	s6 =	sshll.u32 s28, $0x1;
	[dreg:$0x2] =	wrdreg s4  }
0xaa: {  	[dreg:$0x3] =	wrdreg s6  }
0xab: {  	[dreg:$0x4] =	wrdreg $0xC0  }
0xac: {  	_ =	task [dreg:s8], $0x5FFFF  }
0xad: {  	[dreg:$0x1] =	wrdreg $0xFFFFFFFF  }
0xae: {  	[dreg:$0x0] =	wrdreg $0x60  }
0xaf: {  	[dreg:$0x2] =	wrdreg s2  }
0xb0: {  	[dreg:$0x3] =	wrdreg s24  }
0xb1: {  	[dreg:$0x4] =	wrdreg s18  }
0xb2: {  	[dreg:$0x5] =	wrdreg $0x9  }
0xb3: {  	_ =	task.clear_ibuf [dreg:s8], $0x6FFFF;
	_ =	strace $0x90000046  }
0xb4: {  	s29 =	simm.s32 $0x9;
	_ =	strace $0x80000048  }
0xb5: {  	_ =	swait.ge [sflag:s29], $0x1  }
0xb6: {  	[sflag:s29] =	ssyncadd.s32 $0xFFFFFFFF  }
0xb7: {  	_ =	strace $0x90000048  }
0xb8: {  	_ =	sfence  }
0xb9: {  	s30 =	sld [smem:$0x0];
	_ =	sdelay $0x2  }
0xba: {  	s31 =	sshll.u32 s1, $0xD;
	s1 =	sshrl.u32 s1, $0x2  }
0xbb: {  	s3 =	sand.u32 $0x4000, s31;
	s1 =	sadd.s32 s1, s30  }
0xbc: {  	s0 =	sor.u32 s3, s0;
	s1 =	sshll.u32 s1, $0x11  }
0xbd: {  	s0 =	sor.u32 s1, s0  }
0xbe: {  	s0 =	sadd.s32 $0x8F2B, s0  }
0xbf: {  	[sflag:s0] =	ssyncadd.remote.s32 $0x1  }
0xc0: {  	_ =	sfence.sel $0xFFFF  }
0xc1: {  	[dreg:$0x0] =	wrdreg $0xFFFFFFFF;
	(pc) =	sbr.abs _section_cstart, $3  }
0xc2: {  	[dreg:$0x1] =	wrdreg $0xFFFFFFFF  }
0xc3: {  	_ =	task.clear_ibuf [dreg:s8], $0x2FFFF;
	_ =	strace $0x9FFFFFFF  }
0xc4: {  	(tm) =	ssettm $0x7FFFFFFF  }
0xc5: {  	_ =	shalt  }
tec
execute0_lowered:
.L_overlay_start_1:
0x0: {  	(tag) =	ssettag $0x1  }
0x1: {  	s1 =	rddreg [dreg:$0x0]  }
0x2: {  	s0 =	rddreg [dreg:$0x1]  }
0x3: {  	s2 =	srdreg.scid;
	s4 =	stileid.u32  }
0x4: {  	s3 =	rddreg [dreg:$0x2];
	s18 =	simm.s32 $0x19B00;
	s19 =	simm.s32 $0x1AF00  }
0x5: {  	s21 =	simm.s32 $0x1C300;
	s22 =	simm.s32 $0x1;
	s23 =	simm.s32 $0x1D700  }
0x6: {  	s24 =	simm.s32 $0x2;
	s28 =	simm.s32 $0x3;
	s29 =	simm.s32 $0x7  }
0x7: {  	s30 =	simm.s32 $0x1EB00;
	s31 =	simm.s32 $0x4;
	s2 =	sand.u32 $0x1, s2  }
0x8: {  	s5 =	sshll.u32 s4, $0x1;
	s4 =	simm.s32 $0x0;
	s0 =	sadd.s32 $0x600, s0  }
0x9: {  	s15 =	sadd.s32 $0x2800, s3;
	s16 =	sadd.s32 $0x5000, s3;
	s5 =	sor.u32 s2, s5  }
0xa: {  	[smem:$0x7FF] =	sst s4;
	s2 =	ssub.s32 $0x2, s2;
	s6 =	smul.u32 $0x280, s5  }
0xb: {  	_ =	strace $0x80000047;
	s7 =	sshrl.u32 s2, $0x1;
	[dreg:$0x4] =	wrdreg s0  }
0xc: {  	s10 =	sor.u32 $0x60, s5;
	s11 =	sor.u32 $0x80, s5;
	s12 =	sor.u32 $0xA0, s5  }
0xd: {  	s13 =	sor.u32 $0xC0, s5;
	s25 =	ssub.s32 s2, s7;
	s26 =	sadd.s32 s1, s6  }
0xe: {  	s7 =	simm.s32 $0x0;
	s0 =	smax.u32 s25, $0x1;
	[dreg:$0x5] =	wrdreg s26  }
0xf: {  	s25 =	simm.s32 $0x6;
	s6 =	sadd.s32 $0x5000, s26;
	[dreg:$0x8] =	wrdreg s0  }
0x10: {  	s2 =	sadd.s32 $0xA000, s26;
	s26 =	simm.s32 $0x1E100;
	[dreg:$0x6] =	wrdreg s6  }
0x11: {  	s0 =	simm.s32 $0x1F500;
	[dreg:$0x7] =	wrdreg s2;
	s2 =	simm.s32 $0x8  }
.LBB2_1:
0x12: {  	[dreg:$0x9] =	wrdreg s7  }
0x13: {  	s6 =	rddreg [dreg:$0x4]  }
0x14: {  	[tilespmem:s4], [sflag:$0x9] =	stream.linear.gather [hbm4b:s6+s4], $0x18700, $0x38;
	[tilespmem:$0x1FF00] =	vst v63  }
0x15: {  	s8 =	rddreg [dreg:$0x5];
	s9 =	simm.s32 $0x18700  }
0x16: {  	[tilespmem:s9], [sflag:$0x1] =	stream.linear.gather [hbm4b:s8+s4], $0x1400, $0x38;
	[tilespmem:$0x1FF00] =	vst v63  }
0x17: {  	s14 =	rddreg [dreg:$0x6]  }
0x18: {  	[tilespmem:s18], [sflag:$0x2] =	stream.linear.gather [hbm4b:s14+s4], $0x1400, $0x38;
	[tilespmem:$0x1FF00] =	vst v63  }
0x19: {  	s17 =	rddreg [dreg:$0x7];
	s20 =	simm.s32 $0x9  }
0x1a: {  	[tilespmem:s19], [sflag:$0x3] =	stream.linear.gather [hbm4b:s17+s4], $0x1400, $0x38;
	[tilespmem:$0x1FF00] =	vst v63  }
0x1b: {  	_ =	swait.ge [sflag:s20], $0x18700  }
0x1c: {  	[sflag:s20] =	ssyncset.done $0x0  }
0x1d: {  	s9 =	simm.s32 $0x0;
	[sflag:s20] =	ssyncadd.s32 $0xFFFE7900  }
.LBB2_2:
0x1e: {  	s7 =	sshll.u32 s9, $0x7  }
0x1f: {  	s6 =	sor.u32 s10, s7  }
0x20: {  	s8 =	smulhi.u32 $0x68DB8BAD, s6;
	_ =	sdelay $0x1  }
0x21: {  	s8 =	sshrl.u32 s8, $0x9  }
0x22: {  	s8 =	smul.u32 $0x4E2, s8;
	_ =	sdelay $0x1  }
0x23: {  	s14 =	ssub.s32 s6, s8  }
0x24: {  	s6 =	smul.u32 $0x280, s14;
	_ =	sdelay $0x1  }
0x25: {  	s6 =	sadd.s32 s1, s6  }
0x26: {  	[tilespmem:s21], [sflag:$0x4] =	stream.linear.gather [hbm4b:s6+s4], $0x1400, $0x38;
	[tilespmem:$0x1FF00] =	vst v63  }
0x27: {  	_ =	swait.ge [sflag:s22], $0x1400  }
0x28: {  	p0 =	seq.s32 s9, $0x0;
	[sflag:s22] =	ssyncset.done $0x0  }
0x29: {  	s6 =	simm.s32 @!p0 $0x5;
	[sflag:s22] =	ssyncadd.s32 $0xFFFFEC00  }
0x2a: {  	_ =	swait.ge @!p0 [sflag:s6], $0xA00  }
0x2b: {  	[sflag:s6] =	ssyncset.done @!p0 $0x0  }
0x2c: {  	s20 =	simm.s32 $0x18800;
	[sflag:s6] =	ssyncadd.s32 @!p0 $0xFFFFF600  }
0x2d: {  	v0 =	vld [tilespmem:s20+$0x70]  }
0x2e: {  	v1 =	vld [tilespmem:s20+$0xF0]  }
0x2f: {  	v2 =	vld [tilespmem:s20+$0xFFFFFF80]  }
0x30: {  	v3 =	vld [tilespmem:s20+$0xFFFFFF10]  }
0x31: {  	v4 =	vld [tilespmem:s20+$0xFFFFFF90]  }
0x32: {  	v5 =	vld [tilespmem:s20+$0xFFFFFF20]  }
0x33: {  	v6 =	vld [tilespmem:s20+$0xFFFFFFA0]  }
0x34: {  	v7 =	vld [tilespmem:s20+$0xFFFFFF30]  }
0x35: {  	v8 =	vld [tilespmem:s20+$0xFFFFFFB0]  }
0x36: {  	v9 =	vld [tilespmem:s20+$0xFFFFFF40]  }
0x37: {  	v10 =	vld [tilespmem:s20+$0xFFFFFFC0]  }
0x38: {  	v11 =	vld [tilespmem:s20+$0xFFFFFF50]  }
0x39: {  	v12 =	vld [tilespmem:s20+$0xFFFFFFD0]  }
0x3a: {  	v13 =	vld [tilespmem:s20+$0xFFFFFF60]  }
0x3b: {  	v14 =	vld [tilespmem:s20+$0xFFFFFFE0]  }
0x3c: {  	v15 =	vld [tilespmem:s20+$0xFFFFFF70]  }
0x3d: {  	v16 =	vld [tilespmem:s20+$0xFFFFFFF0]  }
0x3e: {  	v17 =	vld [tilespmem:s20+$0x0]  }
0x3f: {  	v18 =	vld [tilespmem:s20+$0x80]  }
0x40: {  	v19 =	vld [tilespmem:s20+$0x10]  }
0x41: {  	v20 =	vld [tilespmem:s20+$0x90]  }
0x42: {  	v21 =	vld [tilespmem:s20+$0x20]  }
0x43: {  	v22 =	vld [tilespmem:s20+$0xA0]  }
0x44: {  	v23 =	vld [tilespmem:s20+$0x30]  }
0x45: {  	v24 =	vld [tilespmem:s20+$0xB0]  }
0x46: {  	v25 =	vld [tilespmem:s20+$0x40]  }
0x47: {  	v26 =	vld [tilespmem:s20+$0xC0]  }
0x48: {  	v27 =	vld [tilespmem:s20+$0x50]  }
0x49: {  	v28 =	vld [tilespmem:s20+$0xD0]  }
0x4a: {  	v29 =	vld [tilespmem:s20+$0x60]  }
0x4b: {  	v30 =	vld [tilespmem:s20+$0xE0]  }
0x4c: {  	v31 =	vld [tilespmem:s20+$0xFFFFFF00]  }
0x4d: {  	v0 =	vld.idx.msk [tilespmem:v0+s4+$0x0], $0xffff  }
0x4e: {  	v1 =	vld.idx.msk [tilespmem:v1+s4+$0x0], $0xffff  }
0x4f: {  	v2 =	vld.idx.msk [tilespmem:v2+s4+$0x0], $0xffff  }
0x50: {  	v3 =	vld.idx.msk [tilespmem:v3+s4+$0x0], $0xffff  }
0x51: {  	v4 =	vld.idx.msk [tilespmem:v4+s4+$0x0], $0xffff  }
0x52: {  	v5 =	vld.idx.msk [tilespmem:v5+s4+$0x0], $0xffff  }
0x53: {  	v6 =	vld.idx.msk [tilespmem:v6+s4+$0x0], $0xffff  }
0x54: {  	v7 =	vld.idx.msk [tilespmem:v7+s4+$0x0], $0xffff  }
0x55: {  	v8 =	vld.idx.msk [tilespmem:v8+s4+$0x0], $0xffff  }
0x56: {  	v31 =	vld.idx.msk [tilespmem:v31+s4+$0x0], $0xffff  }
0x57: {  	v9 =	vld.idx.msk [tilespmem:v9+s4+$0x0], $0xffff  }
0x58: {  	v10 =	vld.idx.msk [tilespmem:v10+s4+$0x0], $0xffff  }
0x59: {  	v11 =	vld.idx.msk [tilespmem:v11+s4+$0x0], $0xffff  }
0x5a: {  	v12 =	vld.idx.msk [tilespmem:v12+s4+$0x0], $0xffff  }
0x5b: {  	v13 =	vld.idx.msk [tilespmem:v13+s4+$0x0], $0xffff  }
0x5c: {  	v14 =	vld.idx.msk [tilespmem:v14+s4+$0x0], $0xffff  }
0x5d: {  	v15 =	vld.idx.msk [tilespmem:v15+s4+$0x0], $0xffff  }
0x5e: {  	v16 =	vld.idx.msk [tilespmem:v16+s4+$0x0], $0xffff;
	v0 =	vshll.u32 v0, $0x10;
	v1 =	vand.u32 $0xFFFF0000, v1  }
0x5f: {  	v17 =	vld.idx.msk [tilespmem:v17+s4+$0x0], $0xffff;
	v0 =	vadd.f32 v1, v0;
	v1 =	vshll.u32 v3, $0x10;
	v3 =	vand.u32 $0xFFFF0000, v4  }
0x60: {  	s6 =	simm.s32 $0x1D780;
	v4 =	vld.idx.msk [tilespmem:v18+s4+$0x0], $0xffff;
	v1 =	vadd.f32 v3, v1;
	v3 =	vshll.u32 v5, $0x10;
	v5 =	vand.u32 $0xFFFF0000, v6  }
0x61: {  	v6 =	vld.idx.msk [tilespmem:v19+s4+$0x0], $0xffff;
	[tilespmem:s6+$0x70] =	vst v0;
	v0 =	vadd.f32 v5, v3;
	v3 =	vshll.u32 v7, $0x10;
	v5 =	vand.u32 $0xFFFF0000, v8  }
0x62: {  	v2 =	vand.u32 $0xFFFF0000, v2;
	v7 =	vld.idx.msk [tilespmem:v20+s4+$0x0], $0xffff;
	[tilespmem:s6+$0xFFFFFF90] =	vst v1;
	v1 =	vshll.u32 v31, $0x10;
	v3 =	vadd.f32 v5, v3  }
0x63: {  	v8 =	vld.idx.msk [tilespmem:v22+s4+$0x0], $0xffff;
	[tilespmem:s6+$0xFFFFFFA0] =	vst v0;
	v0 =	vadd.f32 v2, v1;
	v1 =	vshll.u32 v9, $0x10;
	v2 =	vand.u32 $0xFFFF0000, v10  }
0x64: {  	v5 =	vld.idx.msk [tilespmem:v21+s4+$0x0], $0xffff;
	[tilespmem:s6+$0xFFFFFFB0] =	vst v3;
	v1 =	vadd.f32 v2, v1;
	v2 =	vshll.u32 v11, $0x10;
	v3 =	vand.u32 $0xFFFF0000, v12  }
0x65: {  	v9 =	vld.idx.msk [tilespmem:v23+s4+$0x0], $0xffff;
	[tilespmem:s6+$0xFFFFFF80] =	vst v0;
	v2 =	vadd.f32 v3, v2;
	v0 =	vshll.u32 v13, $0x10;
	v3 =	vand.u32 $0xFFFF0000, v14  }
0x66: {  	v10 =	vld.idx.msk [tilespmem:v24+s4+$0x0], $0xffff;
	v11 =	vand.u32 $0xFFFF0000, v16;
	[tilespmem:s6+$0xFFFFFFC0] =	vst v1;
	v3 =	vadd.f32 v3, v0;
	v1 =	vshll.u32 v15, $0x10  }
0x67: {  	v4 =	vand.u32 $0xFFFF0000, v4;
	v0 =	vld.idx.msk [tilespmem:v25+s4+$0x0], $0xffff;
	[tilespmem:s6+$0xFFFFFFD0] =	vst v2;
	v11 =	vadd.f32 v11, v1;
	v2 =	vshll.u32 v17, $0x10  }
0x68: {  	v1 =	vld.idx.msk [tilespmem:v26+s4+$0x0], $0xffff;
	[tilespmem:s6+$0xFFFFFFE0] =	vst v3;
	v4 =	vadd.f32 v4, v2;
	v3 =	vshll.u32 v6, $0x10;
	v6 =	vand.u32 $0xFFFF0000, v7  }
0x69: {  	v2 =	vld.idx.msk [tilespmem:v27+s4+$0x0], $0xffff;
	v6 =	vadd.f32 v6, v3  }
0x6a: {  	v5 =	vshll.u32 v5, $0x10;
	v7 =	vand.u32 $0xFFFF0000, v8;
	v3 =	vld.idx.msk [tilespmem:v28+s4+$0x0], $0xffff;
	[tilespmem:s6+$0x0] =	vst v4  }
0x6b: {  	v4 =	vld.idx.msk [tilespmem:v29+s4+$0x0], $0xffff;
	[tilespmem:s6+$0x10] =	vst v6;
	v6 =	vadd.f32 v7, v5  }
0x6c: {  	s8 =	simm.s32 $0x18A00;
	s20 =	simm.s32 $0x0;
	v8 =	vand.u32 $0xFFFF0000, v10;
	[tilespmem:s6+$0xFFFFFFF0] =	vst v11;
	v7 =	vshll.u32 v9, $0x10;
	v5 =	vld.idx.msk [tilespmem:v30+s4+$0x0], $0xffff  }
.LBB2_3:
0x6d: {  	v9 =	vld [tilespmem:s8+$0x70];
	[tilespmem:s6+$0x20] =	vst v6;
	v6 =	vadd.f32 v8, v7;
	v0 =	vshll.u32 v0, $0x10  }
0x6e: {  	s20 =	sadd.s32 $0x10, s20;
	v1 =	vand.u32 $0xFFFF0000, v1;
	v7 =	vld [tilespmem:s8+$0xF0]  }
0x6f: {  	p1 =	slt.u32 s20, $0x90;
	v0 =	vadd.f32 v1, v0;
	v1 =	vshll.u32 v2, $0x10;
	v8 =	vld [tilespmem:s8+$0xFFFFFF80];
	[tilespmem:s6+$0x30] =	vst v6  }
0x70: {  	v3 =	vand.u32 $0xFFFF0000, v3;
	v2 =	vld [tilespmem:s8+$0xFFFFFF10]  }
0x71: {  	v6 =	vld [tilespmem:s8+$0xFFFFFF90];
	[tilespmem:s6+$0x40] =	vst v0;
	v0 =	vadd.f32 v3, v1;
	v1 =	vshll.u32 v4, $0x10  }
0x72: {  	v4 =	vand.u32 $0xFFFF0000, v5;
	v3 =	vld [tilespmem:s8+$0xFFFFFF20]  }
0x73: {  	v5 =	vld [tilespmem:s8+$0xFFFFFFA0];
	[tilespmem:s6+$0x50] =	vst v0;
	v0 =	vadd.f32 v4, v1  }
0x74: {  	v1 =	vld [tilespmem:s8+$0xFFFFFF30]  }
0x75: {  	v4 =	vld.idx.msk [tilespmem:v9+s4+$0x0], $0xffff;
	[tilespmem:s6+$0x60] =	vst v0  }
0x76: {  	v0 =	vld.idx.msk [tilespmem:v7+s4+$0x0], $0xffff  }
0x77: {  	v7 =	vld [tilespmem:s8+$0xFFFFFFB0]  }
0x78: {  	v9 =	vld [tilespmem:s8+$0xFFFFFF40]  }
0x79: {  	v10 =	vld [tilespmem:s8+$0xFFFFFFC0]  }
0x7a: {  	v11 =	vld [tilespmem:s8+$0xFFFFFF50]  }
0x7b: {  	v12 =	vld [tilespmem:s8+$0xFFFFFFD0]  }
0x7c: {  	v4 =	vshll.u32 v4, $0x10;
	v0 =	vand.u32 $0xFFFF0000, v0;
	v13 =	vld [tilespmem:s8+$0xFFFFFF60]  }
0x7d: {  	v0 =	vadd.f32 v0, v4;
	v14 =	vld [tilespmem:s8+$0xFFFFFFE0]  }
0x7e: {  	s6 =	sadd.s32 $0x100, s6;
	v4 =	vld [tilespmem:s8+$0xFFFFFF70]  }
0x7f: {  	v15 =	vld [tilespmem:s8+$0xFFFFFFF0];
	[tilespmem:s6+$0x70] =	vst v0  }
0x80: {  	v0 =	vld [tilespmem:s8+$0x0]  }
0x81: {  	v16 =	vld [tilespmem:s8+$0x80]  }
0x82: {  	v17 =	vld [tilespmem:s8+$0x10]  }
0x83: {  	v18 =	vld [tilespmem:s8+$0x90]  }
0x84: {  	v19 =	vld [tilespmem:s8+$0x20]  }
0x85: {  	v20 =	vld [tilespmem:s8+$0xA0]  }
0x86: {  	v21 =	vld [tilespmem:s8+$0x30]  }
0x87: {  	v22 =	vld [tilespmem:s8+$0xB0]  }
0x88: {  	v23 =	vld [tilespmem:s8+$0x40]  }
0x89: {  	v24 =	vld [tilespmem:s8+$0xC0]  }
0x8a: {  	v25 =	vld [tilespmem:s8+$0x50]  }
0x8b: {  	v26 =	vld [tilespmem:s8+$0xD0]  }
0x8c: {  	v27 =	vld [tilespmem:s8+$0x60]  }
0x8d: {  	v28 =	vld [tilespmem:s8+$0xE0]  }
0x8e: {  	v29 =	vld [tilespmem:s8+$0xFFFFFF00]  }
0x8f: {  	v8 =	vld.idx.msk [tilespmem:v8+s4+$0x0], $0xffff  }
0x90: {  	v2 =	vld.idx.msk [tilespmem:v2+s4+$0x0], $0xffff  }
0x91: {  	v6 =	vld.idx.msk [tilespmem:v6+s4+$0x0], $0xffff  }
0x92: {  	v3 =	vld.idx.msk [tilespmem:v3+s4+$0x0], $0xffff  }
0x93: {  	v5 =	vld.idx.msk [tilespmem:v5+s4+$0x0], $0xffff  }
0x94: {  	v1 =	vld.idx.msk [tilespmem:v1+s4+$0x0], $0xffff  }
0x95: {  	v8 =	vand.u32 $0xFFFF0000, v8;
	v7 =	vld.idx.msk [tilespmem:v7+s4+$0x0], $0xffff  }
0x96: {  	v2 =	vshll.u32 v2, $0x10;
	v29 =	vld.idx.msk [tilespmem:v29+s4+$0x0], $0xffff  }
0x97: {  	v6 =	vand.u32 $0xFFFF0000, v6;
	v9 =	vld.idx.msk [tilespmem:v9+s4+$0x0], $0xffff  }
0x98: {  	v2 =	vadd.f32 v6, v2;
	v3 =	vshll.u32 v3, $0x10;
	v6 =	vld.idx.msk [tilespmem:v10+s4+$0x0], $0xffff  }
0x99: {  	v5 =	vand.u32 $0xFFFF0000, v5;
	v10 =	vld.idx.msk [tilespmem:v11+s4+$0x0], $0xffff  }
0x9a: {  	v1 =	vshll.u32 v1, $0x10;
	[tilespmem:s6+$0xFFFFFF90] =	vst v2;
	v2 =	vadd.f32 v5, v3;
	v3 =	vld.idx.msk [tilespmem:v12+s4+$0x0], $0xffff  }
0x9b: {  	v5 =	vand.u32 $0xFFFF0000, v7;
	v7 =	vld.idx.msk [tilespmem:v13+s4+$0x0], $0xffff  }
0x9c: {  	v11 =	vshll.u32 v29, $0x10;
	v1 =	vadd.f32 v5, v1;
	[tilespmem:s6+$0xFFFFFFA0] =	vst v2;
	v2 =	vld.idx.msk [tilespmem:v14+s4+$0x0], $0xffff  }
0x9d: {  	v5 =	vadd.f32 v8, v11;
	v8 =	vshll.u32 v9, $0x10;
	v4 =	vld.idx.msk [tilespmem:v4+s4+$0x0], $0xffff  }
0x9e: {  	[tilespmem:s6+$0xFFFFFFB0] =	vst v1;
	v1 =	vand.u32 $0xFFFF0000, v6;
	v6 =	vld.idx.msk [tilespmem:v15+s4+$0x0], $0xffff  }
0x9f: {  	[tilespmem:s6+$0xFFFFFF80] =	vst v5;
	v1 =	vadd.f32 v1, v8;
	v5 =	vshll.u32 v10, $0x10;
	v0 =	vld.idx.msk [tilespmem:v0+s4+$0x0], $0xffff  }
0xa0: {  	v3 =	vand.u32 $0xFFFF0000, v3;
	v8 =	vld.idx.msk [tilespmem:v16+s4+$0x0], $0xffff  }
0xa1: {  	[tilespmem:s6+$0xFFFFFFC0] =	vst v1;
	v1 =	vadd.f32 v3, v5;
	v3 =	vshll.u32 v7, $0x10;
	v5 =	vld.idx.msk [tilespmem:v17+s4+$0x0], $0xffff  }
0xa2: {  	v2 =	vand.u32 $0xFFFF0000, v2;
	v7 =	vld.idx.msk [tilespmem:v18+s4+$0x0], $0xffff  }
0xa3: {  	[tilespmem:s6+$0xFFFFFFD0] =	vst v1;
	v1 =	vadd.f32 v2, v3;
	v2 =	vshll.u32 v4, $0x10;
	v3 =	vld.idx.msk [tilespmem:v19+s4+$0x0], $0xffff  }
0xa4: {  	v4 =	vand.u32 $0xFFFF0000, v6;
	v6 =	vld.idx.msk [tilespmem:v20+s4+$0x0], $0xffff  }
0xa5: {  	v0 =	vshll.u32 v0, $0x10;
	[tilespmem:s6+$0xFFFFFFE0] =	vst v1;
	v1 =	vadd.f32 v4, v2;
	v4 =	vld.idx.msk [tilespmem:v21+s4+$0x0], $0xffff  }
0xa6: {  	v2 =	vand.u32 $0xFFFF0000, v8;
	v8 =	vld.idx.msk [tilespmem:v22+s4+$0x0], $0xffff  }
0xa7: {  	v2 =	vadd.f32 v2, v0;
	v5 =	vshll.u32 v5, $0x10;
	[tilespmem:s6+$0xFFFFFFF0] =	vst v1;
	v0 =	vld.idx.msk [tilespmem:v23+s4+$0x0], $0xffff  }
.Ltmp0:
0xa8: {  	v7 =	vand.u32 $0xFFFF0000, v7;
	v1 =	vld.idx.msk [tilespmem:v24+s4+$0x0], $0xffff;
	(pc) =	sbr.rel @p1 .LBB2_3-.Ltmp0, $4  }
0xa9: {  	v5 =	vadd.f32 v7, v5;
	v7 =	vshll.u32 v3, $0x10;
	[tilespmem:s6+$0x0] =	vst v2;
	v2 =	vld.idx.msk [tilespmem:v25+s4+$0x0], $0xffff  }
0xaa: {  	v6 =	vand.u32 $0xFFFF0000, v6;
	v3 =	vld.idx.msk [tilespmem:v26+s4+$0x0], $0xffff  }
0xab: {  	v6 =	vadd.f32 v6, v7;
	v7 =	vshll.u32 v4, $0x10;
	[tilespmem:s6+$0x10] =	vst v5;
	v4 =	vld.idx.msk [tilespmem:v27+s4+$0x0], $0xffff  }
0xac: {  	s8 =	sadd.s32 $0x200, s8;
	v8 =	vand.u32 $0xFFFF0000, v8;
	v5 =	vld.idx.msk [tilespmem:v28+s4+$0x0], $0xffff  }
0xad: {  	_ =	sdelay $0x1  }
0xae: {  	v7 =	vadd.f32 v8, v7;
	v0 =	vshll.u32 v0, $0x10;
	v1 =	vand.u32 $0xFFFF0000, v1  }
0xaf: {  	[tilespmem:s6+$0x20] =	vst v6;
	p1 =	sne.s32 s9, $0x9;
	v0 =	vadd.f32 v1, v0;
	v59 =	vshll.u32 v2, $0x10;
	v60 =	vand.u32 $0xFFFF0000, v3  }
.Ltmp1:
0xb0: {  	s8 =	sor.u32 s5, s7;
	[tilespmem:s6+$0x30] =	vst v7;
	v1 =	vadd.f32 v60, v59;
	v61 =	vshll.u32 v4, $0x10;
	v62 =	vand.u32 $0xFFFF0000, v5;
	(pc) =	sbr.rel @p1 .LBB2_6-.Ltmp1, $4  }
0xb1: {  	s20 =	smul.u32 $0x140, s8;
	[tilespmem:s6+$0x40] =	vst v0;
	v63 =	vadd.f32 v62, v61  }
0xb2: {  	[tilespmem:s6+$0x50] =	vst v1  }
0xb3: {  	s17 =	sadd.s32 s3, s20;
	[tilespmem:s6+$0x60] =	vst v63  }
0xb4: {  	[hbm4b:s17+s4] =	stream.linear.scatter [tilespmem:s23], [sflag:$0x5], $0xA00, $0x38;
	[tilespmem:$0x1FF00] =	vst v63  }
.Ltmp2:
0xb5: {  	(pc) =	sbr.rel .LBB2_7-.Ltmp2, $4  }
0xb6: {  	_ = 	snop  }
0xb7: {  	_ =	swait.ge [sflag:s24], $0x1400  }
0xb8: {  	[sflag:s24] =	ssyncset.done $0x0  }
0xb9: {  	[sflag:s24] =	ssyncadd.s32 $0xFFFFEC00  }
.LBB2_6:
0xba: {  	s6 =	sadd.s32 s11, s7  }
0xbb: {  	s8 =	smulhi.u32 $0x68DB8BAD, s6;
	_ =	sdelay $0x1  }
0xbc: {  	s8 =	sshrl.u32 s8, $0x9  }
0xbd: {  	s8 =	smul.u32 $0x4E2, s8;
	_ =	sdelay $0x1  }
0xbe: {  	s6 =	ssub.s32 s6, s8  }
0xbf: {  	s6 =	smul.u32 $0x280, s6;
	_ =	sdelay $0x1  }
.Ltmp3:
0xc0: {  	s17 =	simm.s32 $0x18700;
	s6 =	sadd.s32 s1, s6;
	(pc) =	sbr.rel @p0 .LBB2_8-.Ltmp3, $4  }
0xc1: {  	[tilespmem:s17], [sflag:$0x1] =	stream.linear.gather [hbm4b:s6+s4], $0x1400, $0x38;
	[tilespmem:$0x1FF00] =	vst v63  }
0xc2: {  	_ =	swait.ge [sflag:s24], $0x1400  }
0xc3: {  	[sflag:s24] =	ssyncset.done $0x0  }
0xc4: {  	[sflag:s24] =	ssyncadd.s32 $0xFFFFEC00  }
.LBB2_7:
0xc5: {  	_ =	swait.ge [sflag:s25], $0xA00  }
0xc6: {  	[sflag:s25] =	ssyncset.done $0x0  }
0xc7: {  	[sflag:s25] =	ssyncadd.s32 $0xFFFFF600  }
.LBB2_8:
0xc8: {  	s6 =	simm.s32 $0x19C00  }
0xc9: {  	v0 =	vld [tilespmem:s6+$0x70]  }
0xca: {  	v1 =	vld [tilespmem:s6+$0xF0]  }
0xcb: {  	v2 =	vld [tilespmem:s6+$0xFFFFFF80]  }
0xcc: {  	v3 =	vld [tilespmem:s6+$0xFFFFFF10]  }
0xcd: {  	v4 =	vld [tilespmem:s6+$0xFFFFFF90]  }
0xce: {  	v5 =	vld [tilespmem:s6+$0xFFFFFF20]  }
0xcf: {  	v6 =	vld [tilespmem:s6+$0xFFFFFFA0]  }
0xd0: {  	v7 =	vld [tilespmem:s6+$0xFFFFFF30]  }
0xd1: {  	v8 =	vld [tilespmem:s6+$0xFFFFFFB0]  }
0xd2: {  	v9 =	vld [tilespmem:s6+$0xFFFFFF40]  }
0xd3: {  	v10 =	vld [tilespmem:s6+$0xFFFFFFC0]  }
0xd4: {  	v11 =	vld [tilespmem:s6+$0xFFFFFF50]  }
0xd5: {  	v12 =	vld [tilespmem:s6+$0xFFFFFFD0]  }
0xd6: {  	v13 =	vld [tilespmem:s6+$0xFFFFFF60]  }
0xd7: {  	v14 =	vld [tilespmem:s6+$0xFFFFFFE0]  }
0xd8: {  	v15 =	vld [tilespmem:s6+$0xFFFFFF70]  }
0xd9: {  	v16 =	vld [tilespmem:s6+$0xFFFFFFF0]  }
0xda: {  	v17 =	vld [tilespmem:s6+$0x0]  }
0xdb: {  	v18 =	vld [tilespmem:s6+$0x80]  }
0xdc: {  	v19 =	vld [tilespmem:s6+$0x10]  }
0xdd: {  	v20 =	vld [tilespmem:s6+$0x90]  }
0xde: {  	v21 =	vld [tilespmem:s6+$0x20]  }
0xdf: {  	v22 =	vld [tilespmem:s6+$0xA0]  }
0xe0: {  	v23 =	vld [tilespmem:s6+$0x30]  }
0xe1: {  	v24 =	vld [tilespmem:s6+$0xB0]  }
0xe2: {  	v25 =	vld [tilespmem:s6+$0x40]  }
0xe3: {  	v26 =	vld [tilespmem:s6+$0xC0]  }
0xe4: {  	v27 =	vld [tilespmem:s6+$0x50]  }
0xe5: {  	v28 =	vld [tilespmem:s6+$0xD0]  }
0xe6: {  	v29 =	vld [tilespmem:s6+$0x60]  }
0xe7: {  	v30 =	vld [tilespmem:s6+$0xE0]  }
0xe8: {  	v31 =	vld [tilespmem:s6+$0xFFFFFF00]  }
0xe9: {  	v0 =	vld.idx.msk [tilespmem:v0+s4+$0x0], $0xffff  }
0xea: {  	v1 =	vld.idx.msk [tilespmem:v1+s4+$0x0], $0xffff  }
0xeb: {  	v2 =	vld.idx.msk [tilespmem:v2+s4+$0x0], $0xffff  }
0xec: {  	v3 =	vld.idx.msk [tilespmem:v3+s4+$0x0], $0xffff  }
0xed: {  	v4 =	vld.idx.msk [tilespmem:v4+s4+$0x0], $0xffff  }
0xee: {  	v5 =	vld.idx.msk [tilespmem:v5+s4+$0x0], $0xffff  }
0xef: {  	v6 =	vld.idx.msk [tilespmem:v6+s4+$0x0], $0xffff  }
0xf0: {  	v7 =	vld.idx.msk [tilespmem:v7+s4+$0x0], $0xffff  }
0xf1: {  	v8 =	vld.idx.msk [tilespmem:v8+s4+$0x0], $0xffff  }
0xf2: {  	v31 =	vld.idx.msk [tilespmem:v31+s4+$0x0], $0xffff  }
0xf3: {  	v9 =	vld.idx.msk [tilespmem:v9+s4+$0x0], $0xffff  }
0xf4: {  	v10 =	vld.idx.msk [tilespmem:v10+s4+$0x0], $0xffff  }
0xf5: {  	v11 =	vld.idx.msk [tilespmem:v11+s4+$0x0], $0xffff  }
0xf6: {  	v12 =	vld.idx.msk [tilespmem:v12+s4+$0x0], $0xffff  }
0xf7: {  	v13 =	vld.idx.msk [tilespmem:v13+s4+$0x0], $0xffff  }
0xf8: {  	v14 =	vld.idx.msk [tilespmem:v14+s4+$0x0], $0xffff  }
0xf9: {  	v15 =	vld.idx.msk [tilespmem:v15+s4+$0x0], $0xffff  }
0xfa: {  	v16 =	vld.idx.msk [tilespmem:v16+s4+$0x0], $0xffff;
	v0 =	vshll.u32 v0, $0x10;
	v1 =	vand.u32 $0xFFFF0000, v1  }
0xfb: {  	v17 =	vld.idx.msk [tilespmem:v17+s4+$0x0], $0xffff;
	v0 =	vadd.f32 v1, v0;
	v1 =	vshll.u32 v3, $0x10;
	v3 =	vand.u32 $0xFFFF0000, v4  }
0xfc: {  	s6 =	simm.s32 $0x1E180;
	v4 =	vld.idx.msk [tilespmem:v18+s4+$0x0], $0xffff;
	v1 =	vadd.f32 v3, v1;
	v3 =	vshll.u32 v5, $0x10;
	v5 =	vand.u32 $0xFFFF0000, v6  }
0xfd: {  	v6 =	vld.idx.msk [tilespmem:v19+s4+$0x0], $0xffff;
	[tilespmem:s6+$0x70] =	vst v0;
	v0 =	vadd.f32 v5, v3;
	v3 =	vshll.u32 v7, $0x10;
	v5 =	vand.u32 $0xFFFF0000, v8  }
0xfe: {  	v2 =	vand.u32 $0xFFFF0000, v2;
	v7 =	vld.idx.msk [tilespmem:v20+s4+$0x0], $0xffff;
	[tilespmem:s6+$0xFFFFFF90] =	vst v1;
	v1 =	vshll.u32 v31, $0x10;
	v3 =	vadd.f32 v5, v3  }
0xff: {  	v8 =	vld.idx.msk [tilespmem:v22+s4+$0x0], $0xffff;
	[tilespmem:s6+$0xFFFFFFA0] =	vst v0;
	v0 =	vadd.f32 v2, v1;
	v1 =	vshll.u32 v9, $0x10;
	v2 =	vand.u32 $0xFFFF0000, v10  }
0x100: {  	v5 =	vld.idx.msk [tilespmem:v21+s4+$0x0], $0xffff;
	[tilespmem:s6+$0xFFFFFFB0] =	vst v3;
	v1 =	vadd.f32 v2, v1;
	v2 =	vshll.u32 v11, $0x10;
	v3 =	vand.u32 $0xFFFF0000, v12  }
0x101: {  	v9 =	vld.idx.msk [tilespmem:v23+s4+$0x0], $0xffff;
	[tilespmem:s6+$0xFFFFFF80] =	vst v0;
	v2 =	vadd.f32 v3, v2;
	v0 =	vshll.u32 v13, $0x10;
	v3 =	vand.u32 $0xFFFF0000, v14  }
0x102: {  	v10 =	vld.idx.msk [tilespmem:v24+s4+$0x0], $0xffff;
	v11 =	vand.u32 $0xFFFF0000, v16;
	[tilespmem:s6+$0xFFFFFFC0] =	vst v1;
	v3 =	vadd.f32 v3, v0;
	v1 =	vshll.u32 v15, $0x10  }
0x103: {  	v4 =	vand.u32 $0xFFFF0000, v4;
	v0 =	vld.idx.msk [tilespmem:v25+s4+$0x0], $0xffff;
	[tilespmem:s6+$0xFFFFFFD0] =	vst v2;
	v11 =	vadd.f32 v11, v1;
	v2 =	vshll.u32 v17, $0x10  }
0x104: {  	v1 =	vld.idx.msk [tilespmem:v26+s4+$0x0], $0xffff;
	[tilespmem:s6+$0xFFFFFFE0] =	vst v3;
	v4 =	vadd.f32 v4, v2;
	v3 =	vshll.u32 v6, $0x10;
	v6 =	vand.u32 $0xFFFF0000, v7  }
0x105: {  	v2 =	vld.idx.msk [tilespmem:v27+s4+$0x0], $0xffff;
	v6 =	vadd.f32 v6, v3  }
0x106: {  	v5 =	vshll.u32 v5, $0x10;
	v7 =	vand.u32 $0xFFFF0000, v8;
	v3 =	vld.idx.msk [tilespmem:v28+s4+$0x0], $0xffff;
	[tilespmem:s6+$0x0] =	vst v4  }
0x107: {  	v4 =	vld.idx.msk [tilespmem:v29+s4+$0x0], $0xffff;
	[tilespmem:s6+$0x10] =	vst v6;
	v6 =	vadd.f32 v7, v5  }
0x108: {  	s8 =	simm.s32 $0x0;
	s17 =	simm.s32 $0x19E00;
	v8 =	vand.u32 $0xFFFF0000, v10;
	[tilespmem:s6+$0xFFFFFFF0] =	vst v11;
	v7 =	vshll.u32 v9, $0x10;
	v5 =	vld.idx.msk [tilespmem:v30+s4+$0x0], $0xffff  }
.LBB2_9:
0x109: {  	v9 =	vld [tilespmem:s17+$0x70];
	[tilespmem:s6+$0x20] =	vst v6;
	v6 =	vadd.f32 v8, v7;
	v0 =	vshll.u32 v0, $0x10  }
0x10a: {  	s8 =	sadd.s32 $0x10, s8;
	v1 =	vand.u32 $0xFFFF0000, v1;
	v7 =	vld [tilespmem:s17+$0xF0]  }
0x10b: {  	p2 =	slt.u32 s8, $0x90;
	v0 =	vadd.f32 v1, v0;
	v1 =	vshll.u32 v2, $0x10;
	v8 =	vld [tilespmem:s17+$0xFFFFFF80];
	[tilespmem:s6+$0x30] =	vst v6  }
0x10c: {  	v3 =	vand.u32 $0xFFFF0000, v3;
	v2 =	vld [tilespmem:s17+$0xFFFFFF10]  }
0x10d: {  	v6 =	vld [tilespmem:s17+$0xFFFFFF90];
	[tilespmem:s6+$0x40] =	vst v0;
	v0 =	vadd.f32 v3, v1;
	v1 =	vshll.u32 v4, $0x10  }
0x10e: {  	v4 =	vand.u32 $0xFFFF0000, v5;
	v3 =	vld [tilespmem:s17+$0xFFFFFF20]  }
0x10f: {  	v5 =	vld [tilespmem:s17+$0xFFFFFFA0];
	[tilespmem:s6+$0x50] =	vst v0;
	v0 =	vadd.f32 v4, v1  }
0x110: {  	v1 =	vld [tilespmem:s17+$0xFFFFFF30]  }
0x111: {  	v4 =	vld.idx.msk [tilespmem:v9+s4+$0x0], $0xffff;
	[tilespmem:s6+$0x60] =	vst v0  }
0x112: {  	v0 =	vld.idx.msk [tilespmem:v7+s4+$0x0], $0xffff  }
0x113: {  	v7 =	vld [tilespmem:s17+$0xFFFFFFB0]  }
0x114: {  	v9 =	vld [tilespmem:s17+$0xFFFFFF40]  }
0x115: {  	v10 =	vld [tilespmem:s17+$0xFFFFFFC0]  }
0x116: {  	v11 =	vld [tilespmem:s17+$0xFFFFFF50]  }
0x117: {  	v12 =	vld [tilespmem:s17+$0xFFFFFFD0]  }
0x118: {  	v4 =	vshll.u32 v4, $0x10;
	v0 =	vand.u32 $0xFFFF0000, v0;
	v13 =	vld [tilespmem:s17+$0xFFFFFF60]  }
0x119: {  	v0 =	vadd.f32 v0, v4;
	v14 =	vld [tilespmem:s17+$0xFFFFFFE0]  }
0x11a: {  	s6 =	sadd.s32 $0x100, s6;
	v4 =	vld [tilespmem:s17+$0xFFFFFF70]  }
0x11b: {  	v15 =	vld [tilespmem:s17+$0xFFFFFFF0];
	[tilespmem:s6+$0x70] =	vst v0  }
0x11c: {  	v0 =	vld [tilespmem:s17+$0x0]  }
0x11d: {  	v16 =	vld [tilespmem:s17+$0x80]  }
0x11e: {  	v17 =	vld [tilespmem:s17+$0x10]  }
0x11f: {  	v18 =	vld [tilespmem:s17+$0x90]  }
0x120: {  	v19 =	vld [tilespmem:s17+$0x20]  }
0x121: {  	v20 =	vld [tilespmem:s17+$0xA0]  }
0x122: {  	v21 =	vld [tilespmem:s17+$0x30]  }
0x123: {  	v22 =	vld [tilespmem:s17+$0xB0]  }
0x124: {  	v23 =	vld [tilespmem:s17+$0x40]  }
0x125: {  	v24 =	vld [tilespmem:s17+$0xC0]  }
0x126: {  	v25 =	vld [tilespmem:s17+$0x50]  }
0x127: {  	v26 =	vld [tilespmem:s17+$0xD0]  }
0x128: {  	v27 =	vld [tilespmem:s17+$0x60]  }
0x129: {  	v28 =	vld [tilespmem:s17+$0xE0]  }
0x12a: {  	v29 =	vld [tilespmem:s17+$0xFFFFFF00]  }
0x12b: {  	v8 =	vld.idx.msk [tilespmem:v8+s4+$0x0], $0xffff  }
0x12c: {  	v2 =	vld.idx.msk [tilespmem:v2+s4+$0x0], $0xffff  }
0x12d: {  	v6 =	vld.idx.msk [tilespmem:v6+s4+$0x0], $0xffff  }
0x12e: {  	v3 =	vld.idx.msk [tilespmem:v3+s4+$0x0], $0xffff  }
0x12f: {  	v5 =	vld.idx.msk [tilespmem:v5+s4+$0x0], $0xffff  }
0x130: {  	v1 =	vld.idx.msk [tilespmem:v1+s4+$0x0], $0xffff  }
0x131: {  	v8 =	vand.u32 $0xFFFF0000, v8;
	v7 =	vld.idx.msk [tilespmem:v7+s4+$0x0], $0xffff  }
0x132: {  	v2 =	vshll.u32 v2, $0x10;
	v29 =	vld.idx.msk [tilespmem:v29+s4+$0x0], $0xffff  }
0x133: {  	v6 =	vand.u32 $0xFFFF0000, v6;
	v9 =	vld.idx.msk [tilespmem:v9+s4+$0x0], $0xffff  }
0x134: {  	v2 =	vadd.f32 v6, v2;
	v3 =	vshll.u32 v3, $0x10;
	v6 =	vld.idx.msk [tilespmem:v10+s4+$0x0], $0xffff  }
0x135: {  	v5 =	vand.u32 $0xFFFF0000, v5;
	v10 =	vld.idx.msk [tilespmem:v11+s4+$0x0], $0xffff  }
0x136: {  	v1 =	vshll.u32 v1, $0x10;
	[tilespmem:s6+$0xFFFFFF90] =	vst v2;
	v2 =	vadd.f32 v5, v3;
	v3 =	vld.idx.msk [tilespmem:v12+s4+$0x0], $0xffff  }
0x137: {  	v5 =	vand.u32 $0xFFFF0000, v7;
	v7 =	vld.idx.msk [tilespmem:v13+s4+$0x0], $0xffff  }
0x138: {  	v11 =	vshll.u32 v29, $0x10;
	v1 =	vadd.f32 v5, v1;
	[tilespmem:s6+$0xFFFFFFA0] =	vst v2;
	v2 =	vld.idx.msk [tilespmem:v14+s4+$0x0], $0xffff  }
0x139: {  	v5 =	vadd.f32 v8, v11;
	v8 =	vshll.u32 v9, $0x10;
	v4 =	vld.idx.msk [tilespmem:v4+s4+$0x0], $0xffff  }
0x13a: {  	[tilespmem:s6+$0xFFFFFFB0] =	vst v1;
	v1 =	vand.u32 $0xFFFF0000, v6;
	v6 =	vld.idx.msk [tilespmem:v15+s4+$0x0], $0xffff  }
0x13b: {  	[tilespmem:s6+$0xFFFFFF80] =	vst v5;
	v1 =	vadd.f32 v1, v8;
	v5 =	vshll.u32 v10, $0x10;
	v0 =	vld.idx.msk [tilespmem:v0+s4+$0x0], $0xffff  }
0x13c: {  	v3 =	vand.u32 $0xFFFF0000, v3;
	v8 =	vld.idx.msk [tilespmem:v16+s4+$0x0], $0xffff  }
0x13d: {  	[tilespmem:s6+$0xFFFFFFC0] =	vst v1;
	v1 =	vadd.f32 v3, v5;
	v3 =	vshll.u32 v7, $0x10;
	v5 =	vld.idx.msk [tilespmem:v17+s4+$0x0], $0xffff  }
0x13e: {  	v2 =	vand.u32 $0xFFFF0000, v2;
	v7 =	vld.idx.msk [tilespmem:v18+s4+$0x0], $0xffff  }
0x13f: {  	[tilespmem:s6+$0xFFFFFFD0] =	vst v1;
	v1 =	vadd.f32 v2, v3;
	v2 =	vshll.u32 v4, $0x10;
	v3 =	vld.idx.msk [tilespmem:v19+s4+$0x0], $0xffff  }
0x140: {  	v4 =	vand.u32 $0xFFFF0000, v6;
	v6 =	vld.idx.msk [tilespmem:v20+s4+$0x0], $0xffff  }
0x141: {  	v0 =	vshll.u32 v0, $0x10;
	[tilespmem:s6+$0xFFFFFFE0] =	vst v1;
	v1 =	vadd.f32 v4, v2;
	v4 =	vld.idx.msk [tilespmem:v21+s4+$0x0], $0xffff  }
0x142: {  	v2 =	vand.u32 $0xFFFF0000, v8;
	v8 =	vld.idx.msk [tilespmem:v22+s4+$0x0], $0xffff  }
0x143: {  	v2 =	vadd.f32 v2, v0;
	v5 =	vshll.u32 v5, $0x10;
	[tilespmem:s6+$0xFFFFFFF0] =	vst v1;
	v0 =	vld.idx.msk [tilespmem:v23+s4+$0x0], $0xffff  }
.Ltmp4:
0x144: {  	v7 =	vand.u32 $0xFFFF0000, v7;
	v1 =	vld.idx.msk [tilespmem:v24+s4+$0x0], $0xffff;
	(pc) =	sbr.rel @p2 .LBB2_9-.Ltmp4, $4  }
0x145: {  	v5 =	vadd.f32 v7, v5;
	v7 =	vshll.u32 v3, $0x10;
	[tilespmem:s6+$0x0] =	vst v2;
	v2 =	vld.idx.msk [tilespmem:v25+s4+$0x0], $0xffff  }
0x146: {  	v6 =	vand.u32 $0xFFFF0000, v6;
	v3 =	vld.idx.msk [tilespmem:v26+s4+$0x0], $0xffff  }
0x147: {  	v6 =	vadd.f32 v6, v7;
	v7 =	vshll.u32 v4, $0x10;
	[tilespmem:s6+$0x10] =	vst v5;
	v4 =	vld.idx.msk [tilespmem:v27+s4+$0x0], $0xffff  }
0x148: {  	s17 =	sadd.s32 $0x200, s17;
	v8 =	vand.u32 $0xFFFF0000, v8;
	v5 =	vld.idx.msk [tilespmem:v28+s4+$0x0], $0xffff  }
0x149: {  	_ =	sdelay $0x1  }
0x14a: {  	v7 =	vadd.f32 v8, v7;
	v0 =	vshll.u32 v0, $0x10;
	v1 =	vand.u32 $0xFFFF0000, v1  }
0x14b: {  	[tilespmem:s6+$0x20] =	vst v6;
	v0 =	vadd.f32 v1, v0;
	v59 =	vshll.u32 v2, $0x10;
	v60 =	vand.u32 $0xFFFF0000, v3  }
.Ltmp5:
0x14c: {  	[tilespmem:s6+$0x30] =	vst v7;
	v1 =	vadd.f32 v60, v59;
	v61 =	vshll.u32 v4, $0x10;
	v62 =	vand.u32 $0xFFFF0000, v5;
	(pc) =	sbr.rel @p1 .LBB2_12-.Ltmp5, $4  }
0x14d: {  	[tilespmem:s6+$0x40] =	vst v0;
	v63 =	vadd.f32 v62, v61  }
0x14e: {  	[tilespmem:s6+$0x50] =	vst v1  }
0x14f: {  	s17 =	sadd.s32 s15, s20;
	[tilespmem:s6+$0x60] =	vst v63  }
0x150: {  	[hbm4b:s17+s4] =	stream.linear.scatter [tilespmem:s26], [sflag:$0x6], $0xA00, $0x38;
	[tilespmem:$0x1FF00] =	vst v63  }
.Ltmp6:
0x151: {  	(pc) =	sbr.rel .LBB2_13-.Ltmp6, $4  }
0x152: {  	_ = 	snop  }
0x153: {  	_ =	swait.ge [sflag:s28], $0x1400  }
0x154: {  	[sflag:s28] =	ssyncset.done $0x0  }
0x155: {  	[sflag:s28] =	ssyncadd.s32 $0xFFFFEC00  }
.LBB2_12:
0x156: {  	s6 =	sadd.s32 s12, s7  }
0x157: {  	s8 =	smulhi.u32 $0x68DB8BAD, s6;
	_ =	sdelay $0x1  }
0x158: {  	s8 =	sshrl.u32 s8, $0x9  }
0x159: {  	s8 =	smul.u32 $0x4E2, s8;
	_ =	sdelay $0x1  }
0x15a: {  	s6 =	ssub.s32 s6, s8  }
0x15b: {  	s6 =	smul.u32 $0x280, s6;
	_ =	sdelay $0x1  }
.Ltmp7:
0x15c: {  	s6 =	sadd.s32 s1, s6;
	(pc) =	sbr.rel @p0 .LBB2_14-.Ltmp7, $4  }
0x15d: {  	[tilespmem:s18], [sflag:$0x2] =	stream.linear.gather [hbm4b:s6+s4], $0x1400, $0x38;
	[tilespmem:$0x1FF00] =	vst v63  }
0x15e: {  	_ =	swait.ge [sflag:s28], $0x1400  }
0x15f: {  	[sflag:s28] =	ssyncset.done $0x0  }
0x160: {  	[sflag:s28] =	ssyncadd.s32 $0xFFFFEC00  }
.LBB2_13:
0x161: {  	_ =	swait.ge [sflag:s29], $0xA00  }
0x162: {  	[sflag:s29] =	ssyncset.done $0x0  }
0x163: {  	[sflag:s29] =	ssyncadd.s32 $0xFFFFF600  }
.LBB2_14:
0x164: {  	s6 =	simm.s32 $0x1B000  }
0x165: {  	v0 =	vld [tilespmem:s6+$0x70]  }
0x166: {  	v1 =	vld [tilespmem:s6+$0xF0]  }
0x167: {  	v2 =	vld [tilespmem:s6+$0xFFFFFF80]  }
0x168: {  	v3 =	vld [tilespmem:s6+$0xFFFFFF10]  }
0x169: {  	v4 =	vld [tilespmem:s6+$0xFFFFFF90]  }
0x16a: {  	v5 =	vld [tilespmem:s6+$0xFFFFFF20]  }
0x16b: {  	v6 =	vld [tilespmem:s6+$0xFFFFFFA0]  }
0x16c: {  	v7 =	vld [tilespmem:s6+$0xFFFFFF30]  }
0x16d: {  	v8 =	vld [tilespmem:s6+$0xFFFFFFB0]  }
0x16e: {  	v9 =	vld [tilespmem:s6+$0xFFFFFF40]  }
0x16f: {  	v10 =	vld [tilespmem:s6+$0xFFFFFFC0]  }
0x170: {  	v11 =	vld [tilespmem:s6+$0xFFFFFF50]  }
0x171: {  	v12 =	vld [tilespmem:s6+$0xFFFFFFD0]  }
0x172: {  	v13 =	vld [tilespmem:s6+$0xFFFFFF60]  }
0x173: {  	v14 =	vld [tilespmem:s6+$0xFFFFFFE0]  }
0x174: {  	v15 =	vld [tilespmem:s6+$0xFFFFFF70]  }
0x175: {  	v16 =	vld [tilespmem:s6+$0xFFFFFFF0]  }
0x176: {  	v17 =	vld [tilespmem:s6+$0x0]  }
0x177: {  	v18 =	vld [tilespmem:s6+$0x80]  }
0x178: {  	v19 =	vld [tilespmem:s6+$0x10]  }
0x179: {  	v20 =	vld [tilespmem:s6+$0x90]  }
0x17a: {  	v21 =	vld [tilespmem:s6+$0x20]  }
0x17b: {  	v22 =	vld [tilespmem:s6+$0xA0]  }
0x17c: {  	v23 =	vld [tilespmem:s6+$0x30]  }
0x17d: {  	v24 =	vld [tilespmem:s6+$0xB0]  }
0x17e: {  	v25 =	vld [tilespmem:s6+$0x40]  }
0x17f: {  	v26 =	vld [tilespmem:s6+$0xC0]  }
0x180: {  	v27 =	vld [tilespmem:s6+$0x50]  }
0x181: {  	v28 =	vld [tilespmem:s6+$0xD0]  }
0x182: {  	v29 =	vld [tilespmem:s6+$0x60]  }
0x183: {  	v30 =	vld [tilespmem:s6+$0xE0]  }
0x184: {  	v31 =	vld [tilespmem:s6+$0xFFFFFF00]  }
0x185: {  	v0 =	vld.idx.msk [tilespmem:v0+s4+$0x0], $0xffff  }
0x186: {  	v1 =	vld.idx.msk [tilespmem:v1+s4+$0x0], $0xffff  }
0x187: {  	v2 =	vld.idx.msk [tilespmem:v2+s4+$0x0], $0xffff  }
0x188: {  	v3 =	vld.idx.msk [tilespmem:v3+s4+$0x0], $0xffff  }
0x189: {  	v4 =	vld.idx.msk [tilespmem:v4+s4+$0x0], $0xffff  }
0x18a: {  	v5 =	vld.idx.msk [tilespmem:v5+s4+$0x0], $0xffff  }
0x18b: {  	v6 =	vld.idx.msk [tilespmem:v6+s4+$0x0], $0xffff  }
0x18c: {  	v7 =	vld.idx.msk [tilespmem:v7+s4+$0x0], $0xffff  }
0x18d: {  	v8 =	vld.idx.msk [tilespmem:v8+s4+$0x0], $0xffff  }
0x18e: {  	v31 =	vld.idx.msk [tilespmem:v31+s4+$0x0], $0xffff  }
0x18f: {  	v9 =	vld.idx.msk [tilespmem:v9+s4+$0x0], $0xffff  }
0x190: {  	v10 =	vld.idx.msk [tilespmem:v10+s4+$0x0], $0xffff  }
0x191: {  	v11 =	vld.idx.msk [tilespmem:v11+s4+$0x0], $0xffff  }
0x192: {  	v12 =	vld.idx.msk [tilespmem:v12+s4+$0x0], $0xffff  }
0x193: {  	v13 =	vld.idx.msk [tilespmem:v13+s4+$0x0], $0xffff  }
0x194: {  	v14 =	vld.idx.msk [tilespmem:v14+s4+$0x0], $0xffff  }
0x195: {  	v15 =	vld.idx.msk [tilespmem:v15+s4+$0x0], $0xffff  }
0x196: {  	v16 =	vld.idx.msk [tilespmem:v16+s4+$0x0], $0xffff;
	v0 =	vshll.u32 v0, $0x10;
	v1 =	vand.u32 $0xFFFF0000, v1  }
0x197: {  	v17 =	vld.idx.msk [tilespmem:v17+s4+$0x0], $0xffff;
	v0 =	vadd.f32 v1, v0;
	v1 =	vshll.u32 v3, $0x10;
	v3 =	vand.u32 $0xFFFF0000, v4  }
0x198: {  	s6 =	simm.s32 $0x1EB80;
	v4 =	vld.idx.msk [tilespmem:v18+s4+$0x0], $0xffff;
	v1 =	vadd.f32 v3, v1;
	v3 =	vshll.u32 v5, $0x10;
	v5 =	vand.u32 $0xFFFF0000, v6  }
0x199: {  	v6 =	vld.idx.msk [tilespmem:v19+s4+$0x0], $0xffff;
	[tilespmem:s6+$0x70] =	vst v0;
	v0 =	vadd.f32 v5, v3;
	v3 =	vshll.u32 v7, $0x10;
	v5 =	vand.u32 $0xFFFF0000, v8  }
0x19a: {  	v2 =	vand.u32 $0xFFFF0000, v2;
	v7 =	vld.idx.msk [tilespmem:v20+s4+$0x0], $0xffff;
	[tilespmem:s6+$0xFFFFFF90] =	vst v1;
	v1 =	vshll.u32 v31, $0x10;
	v3 =	vadd.f32 v5, v3  }
0x19b: {  	v8 =	vld.idx.msk [tilespmem:v22+s4+$0x0], $0xffff;
	[tilespmem:s6+$0xFFFFFFA0] =	vst v0;
	v0 =	vadd.f32 v2, v1;
	v1 =	vshll.u32 v9, $0x10;
	v2 =	vand.u32 $0xFFFF0000, v10  }
0x19c: {  	v5 =	vld.idx.msk [tilespmem:v21+s4+$0x0], $0xffff;
	[tilespmem:s6+$0xFFFFFFB0] =	vst v3;
	v1 =	vadd.f32 v2, v1;
	v2 =	vshll.u32 v11, $0x10;
	v3 =	vand.u32 $0xFFFF0000, v12  }
0x19d: {  	v9 =	vld.idx.msk [tilespmem:v23+s4+$0x0], $0xffff;
	[tilespmem:s6+$0xFFFFFF80] =	vst v0;
	v2 =	vadd.f32 v3, v2;
	v0 =	vshll.u32 v13, $0x10;
	v3 =	vand.u32 $0xFFFF0000, v14  }
0x19e: {  	v10 =	vld.idx.msk [tilespmem:v24+s4+$0x0], $0xffff;
	v11 =	vand.u32 $0xFFFF0000, v16;
	[tilespmem:s6+$0xFFFFFFC0] =	vst v1;
	v3 =	vadd.f32 v3, v0;
	v1 =	vshll.u32 v15, $0x10  }
0x19f: {  	v4 =	vand.u32 $0xFFFF0000, v4;
	v0 =	vld.idx.msk [tilespmem:v25+s4+$0x0], $0xffff;
	[tilespmem:s6+$0xFFFFFFD0] =	vst v2;
	v11 =	vadd.f32 v11, v1;
	v2 =	vshll.u32 v17, $0x10  }
0x1a0: {  	v1 =	vld.idx.msk [tilespmem:v26+s4+$0x0], $0xffff;
	[tilespmem:s6+$0xFFFFFFE0] =	vst v3;
	v4 =	vadd.f32 v4, v2;
	v3 =	vshll.u32 v6, $0x10;
	v6 =	vand.u32 $0xFFFF0000, v7  }
0x1a1: {  	v2 =	vld.idx.msk [tilespmem:v27+s4+$0x0], $0xffff;
	v6 =	vadd.f32 v6, v3  }
0x1a2: {  	v5 =	vshll.u32 v5, $0x10;
	v7 =	vand.u32 $0xFFFF0000, v8;
	v3 =	vld.idx.msk [tilespmem:v28+s4+$0x0], $0xffff;
	[tilespmem:s6+$0x0] =	vst v4  }
0x1a3: {  	v4 =	vld.idx.msk [tilespmem:v29+s4+$0x0], $0xffff;
	[tilespmem:s6+$0x10] =	vst v6;
	v6 =	vadd.f32 v7, v5  }
0x1a4: {  	s8 =	simm.s32 $0x0;
	s17 =	simm.s32 $0x1B200;
	v8 =	vand.u32 $0xFFFF0000, v10;
	[tilespmem:s6+$0xFFFFFFF0] =	vst v11;
	v7 =	vshll.u32 v9, $0x10;
	v5 =	vld.idx.msk [tilespmem:v30+s4+$0x0], $0xffff  }
.LBB2_15:
0x1a5: {  	v9 =	vld [tilespmem:s17+$0x70];
	[tilespmem:s6+$0x20] =	vst v6;
	v6 =	vadd.f32 v8, v7;
	v0 =	vshll.u32 v0, $0x10  }
0x1a6: {  	s8 =	sadd.s32 $0x10, s8;
	v1 =	vand.u32 $0xFFFF0000, v1;
	v7 =	vld [tilespmem:s17+$0xF0]  }
0x1a7: {  	p2 =	slt.u32 s8, $0x90;
	v0 =	vadd.f32 v1, v0;
	v1 =	vshll.u32 v2, $0x10;
	v8 =	vld [tilespmem:s17+$0xFFFFFF80];
	[tilespmem:s6+$0x30] =	vst v6  }
0x1a8: {  	v3 =	vand.u32 $0xFFFF0000, v3;
	v2 =	vld [tilespmem:s17+$0xFFFFFF10]  }
0x1a9: {  	v6 =	vld [tilespmem:s17+$0xFFFFFF90];
	[tilespmem:s6+$0x40] =	vst v0;
	v0 =	vadd.f32 v3, v1;
	v1 =	vshll.u32 v4, $0x10  }
0x1aa: {  	v4 =	vand.u32 $0xFFFF0000, v5;
	v3 =	vld [tilespmem:s17+$0xFFFFFF20]  }
0x1ab: {  	v5 =	vld [tilespmem:s17+$0xFFFFFFA0];
	[tilespmem:s6+$0x50] =	vst v0;
	v0 =	vadd.f32 v4, v1  }
0x1ac: {  	v1 =	vld [tilespmem:s17+$0xFFFFFF30]  }
0x1ad: {  	v4 =	vld.idx.msk [tilespmem:v9+s4+$0x0], $0xffff;
	[tilespmem:s6+$0x60] =	vst v0  }
0x1ae: {  	v0 =	vld.idx.msk [tilespmem:v7+s4+$0x0], $0xffff  }
0x1af: {  	v7 =	vld [tilespmem:s17+$0xFFFFFFB0]  }
0x1b0: {  	v9 =	vld [tilespmem:s17+$0xFFFFFF40]  }
0x1b1: {  	v10 =	vld [tilespmem:s17+$0xFFFFFFC0]  }
0x1b2: {  	v11 =	vld [tilespmem:s17+$0xFFFFFF50]  }
0x1b3: {  	v12 =	vld [tilespmem:s17+$0xFFFFFFD0]  }
0x1b4: {  	v4 =	vshll.u32 v4, $0x10;
	v0 =	vand.u32 $0xFFFF0000, v0;
	v13 =	vld [tilespmem:s17+$0xFFFFFF60]  }
0x1b5: {  	v0 =	vadd.f32 v0, v4;
	v14 =	vld [tilespmem:s17+$0xFFFFFFE0]  }
0x1b6: {  	s6 =	sadd.s32 $0x100, s6;
	v4 =	vld [tilespmem:s17+$0xFFFFFF70]  }
0x1b7: {  	v15 =	vld [tilespmem:s17+$0xFFFFFFF0];
	[tilespmem:s6+$0x70] =	vst v0  }
0x1b8: {  	v0 =	vld [tilespmem:s17+$0x0]  }
0x1b9: {  	v16 =	vld [tilespmem:s17+$0x80]  }
0x1ba: {  	v17 =	vld [tilespmem:s17+$0x10]  }
0x1bb: {  	v18 =	vld [tilespmem:s17+$0x90]  }
0x1bc: {  	v19 =	vld [tilespmem:s17+$0x20]  }
0x1bd: {  	v20 =	vld [tilespmem:s17+$0xA0]  }
0x1be: {  	v21 =	vld [tilespmem:s17+$0x30]  }
0x1bf: {  	v22 =	vld [tilespmem:s17+$0xB0]  }
0x1c0: {  	v23 =	vld [tilespmem:s17+$0x40]  }
0x1c1: {  	v24 =	vld [tilespmem:s17+$0xC0]  }
0x1c2: {  	v25 =	vld [tilespmem:s17+$0x50]  }
0x1c3: {  	v26 =	vld [tilespmem:s17+$0xD0]  }
0x1c4: {  	v27 =	vld [tilespmem:s17+$0x60]  }
0x1c5: {  	v28 =	vld [tilespmem:s17+$0xE0]  }
0x1c6: {  	v29 =	vld [tilespmem:s17+$0xFFFFFF00]  }
0x1c7: {  	v8 =	vld.idx.msk [tilespmem:v8+s4+$0x0], $0xffff  }
0x1c8: {  	v2 =	vld.idx.msk [tilespmem:v2+s4+$0x0], $0xffff  }
0x1c9: {  	v6 =	vld.idx.msk [tilespmem:v6+s4+$0x0], $0xffff  }
0x1ca: {  	v3 =	vld.idx.msk [tilespmem:v3+s4+$0x0], $0xffff  }
0x1cb: {  	v5 =	vld.idx.msk [tilespmem:v5+s4+$0x0], $0xffff  }
0x1cc: {  	v1 =	vld.idx.msk [tilespmem:v1+s4+$0x0], $0xffff  }
0x1cd: {  	v8 =	vand.u32 $0xFFFF0000, v8;
	v7 =	vld.idx.msk [tilespmem:v7+s4+$0x0], $0xffff  }
0x1ce: {  	v2 =	vshll.u32 v2, $0x10;
	v29 =	vld.idx.msk [tilespmem:v29+s4+$0x0], $0xffff  }
0x1cf: {  	v6 =	vand.u32 $0xFFFF0000, v6;
	v9 =	vld.idx.msk [tilespmem:v9+s4+$0x0], $0xffff  }
0x1d0: {  	v2 =	vadd.f32 v6, v2;
	v3 =	vshll.u32 v3, $0x10;
	v6 =	vld.idx.msk [tilespmem:v10+s4+$0x0], $0xffff  }
0x1d1: {  	v5 =	vand.u32 $0xFFFF0000, v5;
	v10 =	vld.idx.msk [tilespmem:v11+s4+$0x0], $0xffff  }
0x1d2: {  	v1 =	vshll.u32 v1, $0x10;
	[tilespmem:s6+$0xFFFFFF90] =	vst v2;
	v2 =	vadd.f32 v5, v3;
	v3 =	vld.idx.msk [tilespmem:v12+s4+$0x0], $0xffff  }
0x1d3: {  	v5 =	vand.u32 $0xFFFF0000, v7;
	v7 =	vld.idx.msk [tilespmem:v13+s4+$0x0], $0xffff  }
0x1d4: {  	v11 =	vshll.u32 v29, $0x10;
	v1 =	vadd.f32 v5, v1;
	[tilespmem:s6+$0xFFFFFFA0] =	vst v2;
	v2 =	vld.idx.msk [tilespmem:v14+s4+$0x0], $0xffff  }
0x1d5: {  	v5 =	vadd.f32 v8, v11;
	v8 =	vshll.u32 v9, $0x10;
	v4 =	vld.idx.msk [tilespmem:v4+s4+$0x0], $0xffff  }
0x1d6: {  	[tilespmem:s6+$0xFFFFFFB0] =	vst v1;
	v1 =	vand.u32 $0xFFFF0000, v6;
	v6 =	vld.idx.msk [tilespmem:v15+s4+$0x0], $0xffff  }
0x1d7: {  	[tilespmem:s6+$0xFFFFFF80] =	vst v5;
	v1 =	vadd.f32 v1, v8;
	v5 =	vshll.u32 v10, $0x10;
	v0 =	vld.idx.msk [tilespmem:v0+s4+$0x0], $0xffff  }
0x1d8: {  	v3 =	vand.u32 $0xFFFF0000, v3;
	v8 =	vld.idx.msk [tilespmem:v16+s4+$0x0], $0xffff  }
0x1d9: {  	[tilespmem:s6+$0xFFFFFFC0] =	vst v1;
	v1 =	vadd.f32 v3, v5;
	v3 =	vshll.u32 v7, $0x10;
	v5 =	vld.idx.msk [tilespmem:v17+s4+$0x0], $0xffff  }
0x1da: {  	v2 =	vand.u32 $0xFFFF0000, v2;
	v7 =	vld.idx.msk [tilespmem:v18+s4+$0x0], $0xffff  }
0x1db: {  	[tilespmem:s6+$0xFFFFFFD0] =	vst v1;
	v1 =	vadd.f32 v2, v3;
	v2 =	vshll.u32 v4, $0x10;
	v3 =	vld.idx.msk [tilespmem:v19+s4+$0x0], $0xffff  }
0x1dc: {  	v4 =	vand.u32 $0xFFFF0000, v6;
	v6 =	vld.idx.msk [tilespmem:v20+s4+$0x0], $0xffff  }
0x1dd: {  	v0 =	vshll.u32 v0, $0x10;
	[tilespmem:s6+$0xFFFFFFE0] =	vst v1;
	v1 =	vadd.f32 v4, v2;
	v4 =	vld.idx.msk [tilespmem:v21+s4+$0x0], $0xffff  }
0x1de: {  	v2 =	vand.u32 $0xFFFF0000, v8;
	v8 =	vld.idx.msk [tilespmem:v22+s4+$0x0], $0xffff  }
0x1df: {  	v2 =	vadd.f32 v2, v0;
	v5 =	vshll.u32 v5, $0x10;
	[tilespmem:s6+$0xFFFFFFF0] =	vst v1;
	v0 =	vld.idx.msk [tilespmem:v23+s4+$0x0], $0xffff  }
.Ltmp8:
0x1e0: {  	v7 =	vand.u32 $0xFFFF0000, v7;
	v1 =	vld.idx.msk [tilespmem:v24+s4+$0x0], $0xffff;
	(pc) =	sbr.rel @p2 .LBB2_15-.Ltmp8, $4  }
0x1e1: {  	v5 =	vadd.f32 v7, v5;
	v7 =	vshll.u32 v3, $0x10;
	[tilespmem:s6+$0x0] =	vst v2;
	v2 =	vld.idx.msk [tilespmem:v25+s4+$0x0], $0xffff  }
0x1e2: {  	v6 =	vand.u32 $0xFFFF0000, v6;
	v3 =	vld.idx.msk [tilespmem:v26+s4+$0x0], $0xffff  }
0x1e3: {  	v6 =	vadd.f32 v6, v7;
	v7 =	vshll.u32 v4, $0x10;
	[tilespmem:s6+$0x10] =	vst v5;
	v4 =	vld.idx.msk [tilespmem:v27+s4+$0x0], $0xffff  }
0x1e4: {  	s17 =	sadd.s32 $0x200, s17;
	v8 =	vand.u32 $0xFFFF0000, v8;
	v5 =	vld.idx.msk [tilespmem:v28+s4+$0x0], $0xffff  }
0x1e5: {  	_ =	sdelay $0x1  }
0x1e6: {  	v7 =	vadd.f32 v8, v7;
	v0 =	vshll.u32 v0, $0x10;
	v1 =	vand.u32 $0xFFFF0000, v1  }
0x1e7: {  	[tilespmem:s6+$0x20] =	vst v6;
	v0 =	vadd.f32 v1, v0;
	v59 =	vshll.u32 v2, $0x10;
	v60 =	vand.u32 $0xFFFF0000, v3  }
.Ltmp9:
0x1e8: {  	[tilespmem:s6+$0x30] =	vst v7;
	v1 =	vadd.f32 v60, v59;
	v61 =	vshll.u32 v4, $0x10;
	v62 =	vand.u32 $0xFFFF0000, v5;
	(pc) =	sbr.rel @p1 .LBB2_18-.Ltmp9, $4  }
0x1e9: {  	[tilespmem:s6+$0x40] =	vst v0;
	v63 =	vadd.f32 v62, v61  }
0x1ea: {  	[tilespmem:s6+$0x50] =	vst v1  }
0x1eb: {  	s20 =	sadd.s32 s16, s20;
	[tilespmem:s6+$0x60] =	vst v63  }
0x1ec: {  	[hbm4b:s20+s4] =	stream.linear.scatter [tilespmem:s30], [sflag:$0x7], $0xA00, $0x38;
	[tilespmem:$0x1FF00] =	vst v63  }
.Ltmp10:
0x1ed: {  	(pc) =	sbr.rel .LBB2_19-.Ltmp10, $4  }
0x1ee: {  	_ = 	snop  }
0x1ef: {  	_ =	swait.ge [sflag:s31], $0x1400  }
0x1f0: {  	[sflag:s31] =	ssyncset.done $0x0  }
0x1f1: {  	[sflag:s31] =	ssyncadd.s32 $0xFFFFEC00  }
.LBB2_18:
0x1f2: {  	s6 =	sadd.s32 s13, s7  }
0x1f3: {  	s7 =	smulhi.u32 $0x68DB8BAD, s6;
	_ =	sdelay $0x1  }
0x1f4: {  	s7 =	sshrl.u32 s7, $0x9  }
0x1f5: {  	s7 =	smul.u32 $0x4E2, s7;
	_ =	sdelay $0x1  }
0x1f6: {  	s6 =	ssub.s32 s6, s7  }
0x1f7: {  	s6 =	smul.u32 $0x280, s6;
	_ =	sdelay $0x1  }
.Ltmp11:
0x1f8: {  	s6 =	sadd.s32 s1, s6;
	(pc) =	sbr.rel @p0 .LBB2_20-.Ltmp11, $4  }
0x1f9: {  	[tilespmem:s19], [sflag:$0x3] =	stream.linear.gather [hbm4b:s6+s4], $0x1400, $0x38;
	[tilespmem:$0x1FF00] =	vst v63  }
0x1fa: {  	_ =	swait.ge [sflag:s31], $0x1400  }
0x1fb: {  	[sflag:s31] =	ssyncset.done $0x0  }
0x1fc: {  	[sflag:s31] =	ssyncadd.s32 $0xFFFFEC00  }
.LBB2_19:
0x1fd: {  	_ =	swait.ge [sflag:s2], $0xA00  }
0x1fe: {  	[sflag:s2] =	ssyncset.done $0x0  }
0x1ff: {  	[sflag:s2] =	ssyncadd.s32 $0xFFFFF600  }
.LBB2_20:
0x200: {  	s6 =	simm.s32 $0x1C400  }
0x201: {  	v0 =	vld [tilespmem:s6+$0x70]  }
0x202: {  	v1 =	vld [tilespmem:s6+$0xF0]  }
0x203: {  	v2 =	vld [tilespmem:s6+$0xFFFFFF80]  }
0x204: {  	v3 =	vld [tilespmem:s6+$0xFFFFFF10]  }
0x205: {  	v4 =	vld [tilespmem:s6+$0xFFFFFF90]  }
0x206: {  	v5 =	vld [tilespmem:s6+$0xFFFFFF20]  }
0x207: {  	v6 =	vld [tilespmem:s6+$0xFFFFFFA0]  }
0x208: {  	v7 =	vld [tilespmem:s6+$0xFFFFFF30]  }
0x209: {  	v8 =	vld [tilespmem:s6+$0xFFFFFFB0]  }
0x20a: {  	v9 =	vld [tilespmem:s6+$0xFFFFFF40]  }
0x20b: {  	v10 =	vld [tilespmem:s6+$0xFFFFFFC0]  }
0x20c: {  	v11 =	vld [tilespmem:s6+$0xFFFFFF50]  }
0x20d: {  	v12 =	vld [tilespmem:s6+$0xFFFFFFD0]  }
0x20e: {  	v13 =	vld [tilespmem:s6+$0xFFFFFF60]  }
0x20f: {  	v14 =	vld [tilespmem:s6+$0xFFFFFFE0]  }
0x210: {  	v15 =	vld [tilespmem:s6+$0xFFFFFF70]  }
0x211: {  	v16 =	vld [tilespmem:s6+$0xFFFFFFF0]  }
0x212: {  	v17 =	vld [tilespmem:s6+$0x0]  }
0x213: {  	v18 =	vld [tilespmem:s6+$0x80]  }
0x214: {  	v19 =	vld [tilespmem:s6+$0x10]  }
0x215: {  	v20 =	vld [tilespmem:s6+$0x90]  }
0x216: {  	v21 =	vld [tilespmem:s6+$0x20]  }
0x217: {  	v22 =	vld [tilespmem:s6+$0xA0]  }
0x218: {  	v23 =	vld [tilespmem:s6+$0x30]  }
0x219: {  	v24 =	vld [tilespmem:s6+$0xB0]  }
0x21a: {  	v25 =	vld [tilespmem:s6+$0x40]  }
0x21b: {  	v26 =	vld [tilespmem:s6+$0xC0]  }
0x21c: {  	v27 =	vld [tilespmem:s6+$0x50]  }
0x21d: {  	v28 =	vld [tilespmem:s6+$0xD0]  }
0x21e: {  	v29 =	vld [tilespmem:s6+$0x60]  }
0x21f: {  	v30 =	vld [tilespmem:s6+$0xE0]  }
0x220: {  	v31 =	vld [tilespmem:s6+$0xFFFFFF00]  }
0x221: {  	v0 =	vld.idx.msk [tilespmem:v0+s4+$0x0], $0xffff  }
0x222: {  	v1 =	vld.idx.msk [tilespmem:v1+s4+$0x0], $0xffff  }
0x223: {  	v2 =	vld.idx.msk [tilespmem:v2+s4+$0x0], $0xffff  }
0x224: {  	v3 =	vld.idx.msk [tilespmem:v3+s4+$0x0], $0xffff  }
0x225: {  	v4 =	vld.idx.msk [tilespmem:v4+s4+$0x0], $0xffff  }
0x226: {  	v5 =	vld.idx.msk [tilespmem:v5+s4+$0x0], $0xffff  }
0x227: {  	v6 =	vld.idx.msk [tilespmem:v6+s4+$0x0], $0xffff  }
0x228: {  	v7 =	vld.idx.msk [tilespmem:v7+s4+$0x0], $0xffff  }
0x229: {  	v8 =	vld.idx.msk [tilespmem:v8+s4+$0x0], $0xffff  }
0x22a: {  	v31 =	vld.idx.msk [tilespmem:v31+s4+$0x0], $0xffff  }
0x22b: {  	v9 =	vld.idx.msk [tilespmem:v9+s4+$0x0], $0xffff  }
0x22c: {  	v10 =	vld.idx.msk [tilespmem:v10+s4+$0x0], $0xffff  }
0x22d: {  	v11 =	vld.idx.msk [tilespmem:v11+s4+$0x0], $0xffff  }
0x22e: {  	v12 =	vld.idx.msk [tilespmem:v12+s4+$0x0], $0xffff  }
0x22f: {  	v13 =	vld.idx.msk [tilespmem:v13+s4+$0x0], $0xffff  }
0x230: {  	v14 =	vld.idx.msk [tilespmem:v14+s4+$0x0], $0xffff  }
0x231: {  	v15 =	vld.idx.msk [tilespmem:v15+s4+$0x0], $0xffff  }
0x232: {  	v16 =	vld.idx.msk [tilespmem:v16+s4+$0x0], $0xffff;
	v0 =	vshll.u32 v0, $0x10;
	v1 =	vand.u32 $0xFFFF0000, v1  }
0x233: {  	v17 =	vld.idx.msk [tilespmem:v17+s4+$0x0], $0xffff;
	v0 =	vadd.f32 v1, v0;
	v1 =	vshll.u32 v3, $0x10;
	v3 =	vand.u32 $0xFFFF0000, v4  }
0x234: {  	s6 =	simm.s32 $0x1F580;
	v4 =	vld.idx.msk [tilespmem:v18+s4+$0x0], $0xffff;
	v1 =	vadd.f32 v3, v1;
	v3 =	vshll.u32 v5, $0x10;
	v5 =	vand.u32 $0xFFFF0000, v6  }
0x235: {  	v6 =	vld.idx.msk [tilespmem:v19+s4+$0x0], $0xffff;
	[tilespmem:s6+$0x70] =	vst v0;
	v0 =	vadd.f32 v5, v3;
	v3 =	vshll.u32 v7, $0x10;
	v5 =	vand.u32 $0xFFFF0000, v8  }
0x236: {  	v2 =	vand.u32 $0xFFFF0000, v2;
	v7 =	vld.idx.msk [tilespmem:v20+s4+$0x0], $0xffff;
	[tilespmem:s6+$0xFFFFFF90] =	vst v1;
	v1 =	vshll.u32 v31, $0x10;
	v3 =	vadd.f32 v5, v3  }
0x237: {  	v8 =	vld.idx.msk [tilespmem:v22+s4+$0x0], $0xffff;
	[tilespmem:s6+$0xFFFFFFA0] =	vst v0;
	v0 =	vadd.f32 v2, v1;
	v1 =	vshll.u32 v9, $0x10;
	v2 =	vand.u32 $0xFFFF0000, v10  }
0x238: {  	v5 =	vld.idx.msk [tilespmem:v21+s4+$0x0], $0xffff;
	[tilespmem:s6+$0xFFFFFFB0] =	vst v3;
	v1 =	vadd.f32 v2, v1;
	v2 =	vshll.u32 v11, $0x10;
	v3 =	vand.u32 $0xFFFF0000, v12  }
0x239: {  	v9 =	vld.idx.msk [tilespmem:v23+s4+$0x0], $0xffff;
	[tilespmem:s6+$0xFFFFFF80] =	vst v0;
	v2 =	vadd.f32 v3, v2;
	v0 =	vshll.u32 v13, $0x10;
	v3 =	vand.u32 $0xFFFF0000, v14  }
0x23a: {  	v10 =	vld.idx.msk [tilespmem:v24+s4+$0x0], $0xffff;
	v11 =	vand.u32 $0xFFFF0000, v16;
	[tilespmem:s6+$0xFFFFFFC0] =	vst v1;
	v3 =	vadd.f32 v3, v0;
	v1 =	vshll.u32 v15, $0x10  }
0x23b: {  	v4 =	vand.u32 $0xFFFF0000, v4;
	v0 =	vld.idx.msk [tilespmem:v25+s4+$0x0], $0xffff;
	[tilespmem:s6+$0xFFFFFFD0] =	vst v2;
	v11 =	vadd.f32 v11, v1;
	v2 =	vshll.u32 v17, $0x10  }
0x23c: {  	v1 =	vld.idx.msk [tilespmem:v26+s4+$0x0], $0xffff;
	[tilespmem:s6+$0xFFFFFFE0] =	vst v3;
	v4 =	vadd.f32 v4, v2;
	v3 =	vshll.u32 v6, $0x10;
	v6 =	vand.u32 $0xFFFF0000, v7  }
0x23d: {  	v2 =	vld.idx.msk [tilespmem:v27+s4+$0x0], $0xffff;
	v6 =	vadd.f32 v6, v3  }
0x23e: {  	v5 =	vshll.u32 v5, $0x10;
	v7 =	vand.u32 $0xFFFF0000, v8;
	v3 =	vld.idx.msk [tilespmem:v28+s4+$0x0], $0xffff;
	[tilespmem:s6+$0x0] =	vst v4  }
0x23f: {  	v4 =	vld.idx.msk [tilespmem:v29+s4+$0x0], $0xffff;
	[tilespmem:s6+$0x10] =	vst v6;
	v6 =	vadd.f32 v7, v5  }
0x240: {  	s7 =	simm.s32 $0x0;
	s8 =	simm.s32 $0x1C600;
	v8 =	vand.u32 $0xFFFF0000, v10;
	[tilespmem:s6+$0xFFFFFFF0] =	vst v11;
	v7 =	vshll.u32 v9, $0x10;
	v5 =	vld.idx.msk [tilespmem:v30+s4+$0x0], $0xffff  }
.LBB2_21:
0x241: {  	v9 =	vld [tilespmem:s8+$0x70];
	[tilespmem:s6+$0x20] =	vst v6;
	v6 =	vadd.f32 v8, v7;
	v0 =	vshll.u32 v0, $0x10  }
0x242: {  	s7 =	sadd.s32 $0x10, s7;
	v1 =	vand.u32 $0xFFFF0000, v1;
	v7 =	vld [tilespmem:s8+$0xF0]  }
0x243: {  	p0 =	slt.u32 s7, $0x90;
	v0 =	vadd.f32 v1, v0;
	v1 =	vshll.u32 v2, $0x10;
	v8 =	vld [tilespmem:s8+$0xFFFFFF80];
	[tilespmem:s6+$0x30] =	vst v6  }
0x244: {  	v3 =	vand.u32 $0xFFFF0000, v3;
	v2 =	vld [tilespmem:s8+$0xFFFFFF10]  }
0x245: {  	v6 =	vld [tilespmem:s8+$0xFFFFFF90];
	[tilespmem:s6+$0x40] =	vst v0;
	v0 =	vadd.f32 v3, v1;
	v1 =	vshll.u32 v4, $0x10  }
0x246: {  	v4 =	vand.u32 $0xFFFF0000, v5;
	v3 =	vld [tilespmem:s8+$0xFFFFFF20]  }
0x247: {  	v5 =	vld [tilespmem:s8+$0xFFFFFFA0];
	[tilespmem:s6+$0x50] =	vst v0;
	v0 =	vadd.f32 v4, v1  }
0x248: {  	v1 =	vld [tilespmem:s8+$0xFFFFFF30]  }
0x249: {  	v4 =	vld.idx.msk [tilespmem:v9+s4+$0x0], $0xffff;
	[tilespmem:s6+$0x60] =	vst v0  }
0x24a: {  	v0 =	vld.idx.msk [tilespmem:v7+s4+$0x0], $0xffff  }
0x24b: {  	v7 =	vld [tilespmem:s8+$0xFFFFFFB0]  }
0x24c: {  	v9 =	vld [tilespmem:s8+$0xFFFFFF40]  }
0x24d: {  	v10 =	vld [tilespmem:s8+$0xFFFFFFC0]  }
0x24e: {  	v11 =	vld [tilespmem:s8+$0xFFFFFF50]  }
0x24f: {  	v12 =	vld [tilespmem:s8+$0xFFFFFFD0]  }
0x250: {  	v4 =	vshll.u32 v4, $0x10;
	v0 =	vand.u32 $0xFFFF0000, v0;
	v13 =	vld [tilespmem:s8+$0xFFFFFF60]  }
0x251: {  	v0 =	vadd.f32 v0, v4;
	v14 =	vld [tilespmem:s8+$0xFFFFFFE0]  }
0x252: {  	s6 =	sadd.s32 $0x100, s6;
	v4 =	vld [tilespmem:s8+$0xFFFFFF70]  }
0x253: {  	v15 =	vld [tilespmem:s8+$0xFFFFFFF0];
	[tilespmem:s6+$0x70] =	vst v0  }
0x254: {  	v0 =	vld [tilespmem:s8+$0x0]  }
0x255: {  	v16 =	vld [tilespmem:s8+$0x80]  }
0x256: {  	v17 =	vld [tilespmem:s8+$0x10]  }
0x257: {  	v18 =	vld [tilespmem:s8+$0x90]  }
0x258: {  	v19 =	vld [tilespmem:s8+$0x20]  }
0x259: {  	v20 =	vld [tilespmem:s8+$0xA0]  }
0x25a: {  	v21 =	vld [tilespmem:s8+$0x30]  }
0x25b: {  	v22 =	vld [tilespmem:s8+$0xB0]  }
0x25c: {  	v23 =	vld [tilespmem:s8+$0x40]  }
0x25d: {  	v24 =	vld [tilespmem:s8+$0xC0]  }
0x25e: {  	v25 =	vld [tilespmem:s8+$0x50]  }
0x25f: {  	v26 =	vld [tilespmem:s8+$0xD0]  }
0x260: {  	v27 =	vld [tilespmem:s8+$0x60]  }
0x261: {  	v28 =	vld [tilespmem:s8+$0xE0]  }
0x262: {  	v29 =	vld [tilespmem:s8+$0xFFFFFF00]  }
0x263: {  	v8 =	vld.idx.msk [tilespmem:v8+s4+$0x0], $0xffff  }
0x264: {  	v2 =	vld.idx.msk [tilespmem:v2+s4+$0x0], $0xffff  }
0x265: {  	v6 =	vld.idx.msk [tilespmem:v6+s4+$0x0], $0xffff  }
0x266: {  	v3 =	vld.idx.msk [tilespmem:v3+s4+$0x0], $0xffff  }
0x267: {  	v5 =	vld.idx.msk [tilespmem:v5+s4+$0x0], $0xffff  }
0x268: {  	v1 =	vld.idx.msk [tilespmem:v1+s4+$0x0], $0xffff  }
0x269: {  	v8 =	vand.u32 $0xFFFF0000, v8;
	v7 =	vld.idx.msk [tilespmem:v7+s4+$0x0], $0xffff  }
0x26a: {  	v2 =	vshll.u32 v2, $0x10;
	v29 =	vld.idx.msk [tilespmem:v29+s4+$0x0], $0xffff  }
0x26b: {  	v6 =	vand.u32 $0xFFFF0000, v6;
	v9 =	vld.idx.msk [tilespmem:v9+s4+$0x0], $0xffff  }
0x26c: {  	v2 =	vadd.f32 v6, v2;
	v3 =	vshll.u32 v3, $0x10;
	v6 =	vld.idx.msk [tilespmem:v10+s4+$0x0], $0xffff  }
0x26d: {  	v5 =	vand.u32 $0xFFFF0000, v5;
	v10 =	vld.idx.msk [tilespmem:v11+s4+$0x0], $0xffff  }
0x26e: {  	v1 =	vshll.u32 v1, $0x10;
	[tilespmem:s6+$0xFFFFFF90] =	vst v2;
	v2 =	vadd.f32 v5, v3;
	v3 =	vld.idx.msk [tilespmem:v12+s4+$0x0], $0xffff  }
0x26f: {  	v5 =	vand.u32 $0xFFFF0000, v7;
	v7 =	vld.idx.msk [tilespmem:v13+s4+$0x0], $0xffff  }
0x270: {  	v11 =	vshll.u32 v29, $0x10;
	v1 =	vadd.f32 v5, v1;
	[tilespmem:s6+$0xFFFFFFA0] =	vst v2;
	v2 =	vld.idx.msk [tilespmem:v14+s4+$0x0], $0xffff  }
0x271: {  	v5 =	vadd.f32 v8, v11;
	v8 =	vshll.u32 v9, $0x10;
	v4 =	vld.idx.msk [tilespmem:v4+s4+$0x0], $0xffff  }
0x272: {  	[tilespmem:s6+$0xFFFFFFB0] =	vst v1;
	v1 =	vand.u32 $0xFFFF0000, v6;
	v6 =	vld.idx.msk [tilespmem:v15+s4+$0x0], $0xffff  }
0x273: {  	[tilespmem:s6+$0xFFFFFF80] =	vst v5;
	v1 =	vadd.f32 v1, v8;
	v5 =	vshll.u32 v10, $0x10;
	v0 =	vld.idx.msk [tilespmem:v0+s4+$0x0], $0xffff  }
0x274: {  	v3 =	vand.u32 $0xFFFF0000, v3;
	v8 =	vld.idx.msk [tilespmem:v16+s4+$0x0], $0xffff  }
0x275: {  	[tilespmem:s6+$0xFFFFFFC0] =	vst v1;
	v1 =	vadd.f32 v3, v5;
	v3 =	vshll.u32 v7, $0x10;
	v5 =	vld.idx.msk [tilespmem:v17+s4+$0x0], $0xffff  }
0x276: {  	v2 =	vand.u32 $0xFFFF0000, v2;
	v7 =	vld.idx.msk [tilespmem:v18+s4+$0x0], $0xffff  }
0x277: {  	[tilespmem:s6+$0xFFFFFFD0] =	vst v1;
	v1 =	vadd.f32 v2, v3;
	v2 =	vshll.u32 v4, $0x10;
	v3 =	vld.idx.msk [tilespmem:v19+s4+$0x0], $0xffff  }
0x278: {  	v4 =	vand.u32 $0xFFFF0000, v6;
	v6 =	vld.idx.msk [tilespmem:v20+s4+$0x0], $0xffff  }
0x279: {  	v0 =	vshll.u32 v0, $0x10;
	[tilespmem:s6+$0xFFFFFFE0] =	vst v1;
	v1 =	vadd.f32 v4, v2;
	v4 =	vld.idx.msk [tilespmem:v21+s4+$0x0], $0xffff  }
0x27a: {  	v2 =	vand.u32 $0xFFFF0000, v8;
	v8 =	vld.idx.msk [tilespmem:v22+s4+$0x0], $0xffff  }
0x27b: {  	v2 =	vadd.f32 v2, v0;
	v5 =	vshll.u32 v5, $0x10;
	[tilespmem:s6+$0xFFFFFFF0] =	vst v1;
	v0 =	vld.idx.msk [tilespmem:v23+s4+$0x0], $0xffff  }
.Ltmp12:
0x27c: {  	v7 =	vand.u32 $0xFFFF0000, v7;
	v1 =	vld.idx.msk [tilespmem:v24+s4+$0x0], $0xffff;
	(pc) =	sbr.rel @p0 .LBB2_21-.Ltmp12, $4  }
0x27d: {  	v5 =	vadd.f32 v7, v5;
	v7 =	vshll.u32 v3, $0x10;
	[tilespmem:s6+$0x0] =	vst v2;
	v2 =	vld.idx.msk [tilespmem:v25+s4+$0x0], $0xffff  }
0x27e: {  	v6 =	vand.u32 $0xFFFF0000, v6;
	v3 =	vld.idx.msk [tilespmem:v26+s4+$0x0], $0xffff  }
0x27f: {  	v6 =	vadd.f32 v6, v7;
	v7 =	vshll.u32 v4, $0x10;
	[tilespmem:s6+$0x10] =	vst v5;
	v4 =	vld.idx.msk [tilespmem:v27+s4+$0x0], $0xffff  }
0x280: {  	s8 =	sadd.s32 $0x200, s8;
	v8 =	vand.u32 $0xFFFF0000, v8;
	v5 =	vld.idx.msk [tilespmem:v28+s4+$0x0], $0xffff  }
0x281: {  	_ =	sdelay $0x1  }
0x282: {  	v7 =	vadd.f32 v8, v7;
	v0 =	vshll.u32 v0, $0x10;
	v1 =	vand.u32 $0xFFFF0000, v1;
	s9 =	sadd.s32 $0x1, s9  }
0x283: {  	[tilespmem:s6+$0x20] =	vst v6;
	v0 =	vadd.f32 v1, v0;
	v59 =	vshll.u32 v2, $0x10;
	p0 =	sne.s32 s9, $0xA;
	v60 =	vand.u32 $0xFFFF0000, v3  }
.Ltmp13:
0x284: {  	[tilespmem:s6+$0x30] =	vst v7;
	v1 =	vadd.f32 v60, v59;
	v61 =	vshll.u32 v4, $0x10;
	v62 =	vand.u32 $0xFFFF0000, v5;
	(pc) =	sbr.rel @p0 .LBB2_2-.Ltmp13, $4  }
0x285: {  	s7 =	smul.u32 $0x140, s14;
	[tilespmem:s6+$0x40] =	vst v0;
	v63 =	vadd.f32 v62, v61  }
0x286: {  	[tilespmem:s6+$0x50] =	vst v1  }
0x287: {  	s20 =	sadd.s32 s3, s7;
	[tilespmem:s6+$0x60] =	vst v63  }
0x288: {  	[hbm4b:s20+s4] =	stream.linear.scatter [tilespmem:s0], [sflag:$0x8], $0xA00, $0x38;
	[tilespmem:$0x1FF00] =	vst v63  }
0x289: {  	s6 =	simm.s32 $0x5  }
0x28a: {  	_ =	swait.ge [sflag:s6], $0xA00  }
0x28b: {  	[sflag:s6] =	ssyncset.done $0x0  }
0x28c: {  	[sflag:s6] =	ssyncadd.s32 $0xFFFFF600  }
0x28d: {  	_ =	swait.ge [sflag:s25], $0xA00  }
0x28e: {  	[sflag:s25] =	ssyncset.done $0x0  }
0x28f: {  	[sflag:s25] =	ssyncadd.s32 $0xFFFFF600  }
0x290: {  	_ =	swait.ge [sflag:s29], $0xA00  }
0x291: {  	[sflag:s29] =	ssyncset.done $0x0  }
0x292: {  	[sflag:s29] =	ssyncadd.s32 $0xFFFFF600  }
0x293: {  	_ =	swait.ge [sflag:s2], $0xA00  }
0x294: {  	s7 =	rddreg [dreg:$0x9]  }
0x295: {  	s20 =	rddreg [dreg:$0x8];
	s7 =	sadd.s32 $0x1, s7  }
0x296: {  	p0 =	sne.s32 s7, s20  }
.Ltmp14:
0x297: {  	_ = 	snop;
	(pc) =	sbr.rel @p0 .LBB2_1-.Ltmp14, $3  }
0x298: {  	_ =	sdelay $0x1  }
0x299: {  	[sflag:s2] =	ssyncset.done $0x0  }
0x29a: {  	[sflag:s2] =	ssyncadd.s32 $0xFFFFF600  }
0x29b: {  	_ =	sfence.sel $0x180000  }
0x29c: {  	[bflag:$0x0] =	sbarrier.arrive $0xFFFF  }
0x29d: {  	_ =	strace $0x90000047  }
0x29e: {  	s0 =	stileid.u32;
	[bflag:$0x2] =	sbarrier.arrive $0xFFFF  }
0x29f: {  	p0 =	sne.s32 s0, $0x0;
	s0 =	rddreg [dreg:$0x3]  }
0x2a0: {  	s0 =	sadd.s32 @!p0 $0x100000, s0  }
0x2a1: {  	[sflag:s0] =	ssyncadd.tile.s32 @!p0 $0x1;
	_ =	shalt  }
.Lfunc_end2:
_tile_overlayer_lowered:
.L_overlay_start_2:
0x2a2: {  	(tag) =	ssettag $0x2  }
0x2a3: {  	s0 =	rddreg [dreg:$0x0];
	s2 =	stileid.u32  }
0x2a4: {  	s1 =	rddreg [dreg:$0x1];
	p0 =	sne.s32 s2, $0x0  }
0x2a5: {  	s3 =	rddreg [dreg:$0x2];
	[bflag:$0x3] =	sbarrier.arrive $0xFFFF;
	s2 =	simm.s32 @!p0 $0x1C0A  }
0x2a6: {  	[timem:s3], [sflag:s2] =	dma.local @!p0 [hbm:s0], s1  }
0x2a7: {  	s0 =	simm.s32 @!p0 $0xA  }
0x2a8: {  	_ =	swait.ge @!p0 [sflag:s0], s1  }
0x2a9: {  	s1 =	ssub.s32 @!p0 $0x0, s1;
	[sflag:s0] =	ssyncset.done @!p0 $0x0  }
0x2aa: {  	[sflag:s0] =	ssyncadd.s32 @!p0 s1  }
0x2ab: {  	[bflag:$0x3] =	sbarrier.arrive $0xFFFF  }
0x2ac: {  	_ =	shalt  }

</sc_bundles>
